<compile_context>
chip_gen: v7x
topology: tpu7x:2x2x1
jax: 0.10.2.dev20260603
libtpu: 0.0.44.dev20260713+nightly
codegen_flags: <defaults>
</compile_context>

<pallas_src>
import functools

import jax
import jax.numpy as jnp
from jax import lax
from jax.experimental import pallas as pl
from jax.experimental.pallas import tpu as pltpu
from jax.experimental.pallas import tpu_sc as plsc

_NC = 2
_NS = 16
_C = 512
_BP = 1000
_NB = 2


def _seg_sum_sc(y, src, dst, zrow, npad):
    N, F = y.shape
    num_chunks = src.shape[0] // _C
    rpt = npad // _NS
    cpt = num_chunks // (_NC * _NS)
    mesh = plsc.VectorSubcoreMesh(core_axis_name="c", subcore_axis_name="s")

    @functools.partial(
        pl.kernel,
        out_type=jax.ShapeDtypeStruct((_NC * npad, F), jnp.float32),
        mesh=mesh,
        scratch_types=[
            [pltpu.VMEM((_C,), jnp.int32) for _ in range(_NB)],
            [pltpu.VMEM((_C,), jnp.int32) for _ in range(_NB)],
            [pltpu.VMEM((_C, F), jnp.float32) for _ in range(_NB)],
            pltpu.VMEM_SHARED((npad, F), jnp.float32),
            [pltpu.SemaphoreType.DMA for _ in range(_NB)],
        ],
        compiler_params=pltpu.CompilerParams(use_tc_tiling_on_sc=False),
    )
    def agg(y_hbm, src_hbm, dst_hbm, z_hbm, out_hbm, srcs, dsts, rows,
            acc_sh, sems):
        cid = lax.axis_index("c")
        sid = lax.axis_index("s")
        wid = sid * _NC + cid
        row0 = sid * rpt
        pltpu.sync_copy(z_hbm, acc_sh.at[pl.ds(row0, rpt)])
        plsc.subcore_barrier()
        e0 = wid * cpt * _C

        def body(i, carry):
            base = e0 + _NB * i * _C
            hs = []
            for b in range(_NB):
                pltpu.sync_copy(src_hbm.at[pl.ds(base + b * _C, _C)], srcs[b])
                pltpu.sync_copy(dst_hbm.at[pl.ds(base + b * _C, _C)], dsts[b])
                hs.append(pltpu.async_copy(y_hbm.at[srcs[b]], rows[b],
                                           sems[b]))
            for b in range(_NB):
                hs[b].wait()
                pltpu.sync_copy(rows[b], acc_sh.at[dsts[b]], add=True)
            return carry

        lax.fori_loop(0, cpt // _NB, body, 0)
        plsc.subcore_barrier()
        pltpu.sync_copy(acc_sh.at[pl.ds(row0, rpt)],
                        out_hbm.at[pl.ds(cid * npad + row0, rpt)])

    return agg(y, src, dst, zrow)


def _mm_tc(x, W):
    Np, D = x.shape
    H = W.shape[1]

    def body(x_ref, w_ref, o_ref):
        o_ref[...] = jnp.dot(x_ref[...], w_ref[...],
                             preferred_element_type=jnp.float32)

    return pl.pallas_call(
        body,
        grid=(Np // _BP,),
        in_specs=[
            pl.BlockSpec((_BP, D), lambda i: (i, 0)),
            pl.BlockSpec((D, H), lambda i: (0, 0)),
        ],
        out_specs=pl.BlockSpec((_BP, H), lambda i: (i, 0)),
        out_shape=jax.ShapeDtypeStruct((Np, H), jnp.float32),
    )(x, W)


def _mid_tc(opeps, y, p0, p1, ba, Wb, bb, Wnext):
    Np, H = y.shape
    H2 = Wnext.shape[1]

    def body(e_ref, y_ref, p0_ref, p1_ref, ba_ref, wb_ref, bb_ref, wn_ref,
             o_ref):
        e = e_ref[0]
        t = jnp.maximum(e * y_ref[...] + p0_ref[...] + p1_ref[...]
                        + ba_ref[...], 0.0)
        h = jnp.dot(t, wb_ref[...], preferred_element_type=jnp.float32)
        h = jnp.maximum(h + bb_ref[...], 0.0)
        o_ref[...] = jnp.dot(h, wn_ref[...],
                             preferred_element_type=jnp.float32)

    return pl.pallas_call(
        body,
        grid=(Np // _BP,),
        in_specs=[
            pl.BlockSpec(memory_space=pltpu.SMEM),
            pl.BlockSpec((_BP, H), lambda i: (i, 0)),
            pl.BlockSpec((_BP, H), lambda i: (i, 0)),
            pl.BlockSpec((_BP, H), lambda i: (i, 0)),
            pl.BlockSpec((1, H), lambda i: (0, 0)),
            pl.BlockSpec((H, H), lambda i: (0, 0)),
            pl.BlockSpec((1, H), lambda i: (0, 0)),
            pl.BlockSpec((H, H2), lambda i: (0, 0)),
        ],
        out_specs=pl.BlockSpec((_BP, H2), lambda i: (i, 0)),
        out_shape=jax.ShapeDtypeStruct((Np, H2), jnp.float32),
    )(opeps, y, p0, p1, ba, Wb, bb, Wnext)


def _head_tc(opeps, z, q0, q1, ba, Wb, bb, Wout, bout, O):
    Np, H = z.shape
    O2 = Wout.shape[1]

    def body(e_ref, z_ref, q0_ref, q1_ref, ba_ref, wb_ref, bb_ref, wo_ref,
             bo_ref, o_ref):
        e = e_ref[0]
        t = jnp.maximum(e * z_ref[...] + q0_ref[...] + q1_ref[...]
                        + ba_ref[...], 0.0)
        h = jnp.dot(t, wb_ref[...], preferred_element_type=jnp.float32)
        h = jnp.maximum(h + bb_ref[...], 0.0)
        lg = jnp.dot(h, wo_ref[...],
                     preferred_element_type=jnp.float32) + bo_ref[...]
        outs = []
        for k in range(2):
            l = lg[:, k * O:(k + 1) * O]
            s = l - jnp.max(l, axis=-1, keepdims=True)
            outs.append(s - jnp.log(jnp.sum(jnp.exp(s), axis=-1,
                                            keepdims=True)))
        o_ref[...] = jnp.concatenate(outs, axis=-1)

    return pl.pallas_call(
        body,
        grid=(Np // _BP,),
        in_specs=[
            pl.BlockSpec(memory_space=pltpu.SMEM),
            pl.BlockSpec((_BP, H), lambda i: (i, 0)),
            pl.BlockSpec((_BP, H), lambda i: (i, 0)),
            pl.BlockSpec((_BP, H), lambda i: (i, 0)),
            pl.BlockSpec((1, H), lambda i: (0, 0)),
            pl.BlockSpec((H, H), lambda i: (0, 0)),
            pl.BlockSpec((1, H), lambda i: (0, 0)),
            pl.BlockSpec((H, O2), lambda i: (0, 0)),
            pl.BlockSpec((1, O2), lambda i: (0, 0)),
        ],
        out_specs=pl.BlockSpec((_BP, O2), lambda i: (i, 0)),
        out_shape=jax.ShapeDtypeStruct((Np, O2), jnp.float32),
    )(opeps, z, q0, q1, ba, Wb, bb, Wout, bout)


def _bd(W):
    Z = jnp.zeros(W.shape, W.dtype)
    return jnp.block([[W, Z], [Z, W]])


def _b2(b):
    return jnp.concatenate([b, b])[None, :]


def kernel(x, edge_index, eps0, W0a, b0a, W0b, b0b, g0, be0,
           eps1, W1a, b1a, W1b, b1b, g1, be1, Wout, bout):
    N, D = x.shape
    H = W0a.shape[1]
    O = Wout.shape[1]
    E = edge_index.shape[1]
    Np = N // 2
    npad = -(-N // (8 * _NS)) * (8 * _NS)
    if npad - N < 1:
        npad += 8 * _NS
    nw = _NC * _NS
    cpt = -(-(-(-E // _C)) // (nw * _NB)) * _NB
    epad = nw * cpt * _C - E
    src = jnp.concatenate(
        [edge_index[0], jnp.arange(epad, dtype=jnp.int32) % N])
    dst = jnp.concatenate(
        [edge_index[1],
         N + (jnp.arange(epad, dtype=jnp.int32) % (npad - N))])
    zrow = jnp.zeros((npad // _NS, H), jnp.float32)

    bn = 1.0 / jnp.sqrt(jnp.float32(1.0 + 1e-5))
    s0 = g0 * bn
    W0bf = W0b * s0[None, :]
    b0bf = b0b * s0 + be0
    s1 = g1 * bn
    W1bf = W1b * s1[None, :]
    b1bf = b1b * s1 + be1

    ope0 = jnp.reshape(1.0 + eps0, (1,))
    ope1 = jnp.reshape(1.0 + eps1, (1,))

    x_pair = x.reshape(Np, 2 * D)

    y0p = _mm_tc(x_pair, _bd(W0a))
    parts0 = _seg_sum_sc(y0p.reshape(N, H), src, dst, zrow, npad)
    pp = parts0.reshape(2, npad // 2, 2 * H)
    zp = _mid_tc(ope0, y0p, pp[0], pp[1], _b2(b0a), _bd(W0bf), _b2(b0bf),
                 _bd(W1a))

    parts1 = _seg_sum_sc(zp.reshape(N, H), src, dst, zrow, npad)
    qq = parts1.reshape(2, npad // 2, 2 * H)
    lgp = _head_tc(ope1, zp, qq[0], qq[1], _b2(b1a), _bd(W1bf), _b2(b1bf),
                   _bd(Wout), _b2(bout), O)
    return lgp.reshape(N, O)

# --- scband reference (transcript-rebuilt; emitter-appended) ---
"""Pipeline reference for scband-gin-27934467293300 (READ-ONLY COPY).

The authoritative reference and input builder live on the scoring server;
editing this copy changes nothing except your own understanding.
"""

import jax, jax.numpy as jnp
import numpy as np

N = 10000
E = 320000
IN_DIM = 128
H = 64
OUT = 7


def setup_inputs(seed: int = 0):
    key = jax.random.key(seed)
    ks = jax.random.split(key, 20)
    x = jax.random.normal(ks[0], (N, IN_DIM), dtype=jnp.float32)
    edge_index = jax.random.randint(ks[1], (2, E), 0, N, dtype=jnp.int32)
    def lin(k, fan_in, fan_out):
        kw, kb = jax.random.split(k)
        W = jax.random.normal(kw, (fan_in, fan_out), dtype=jnp.float32) * (1.0 / np.sqrt(fan_in))
        b = jax.random.normal(kb, (fan_out,), dtype=jnp.float32) * 0.01
        return W, b
    W0a, b0a = lin(ks[2], IN_DIM, H)
    W0b, b0b = lin(ks[3], H, H)
    W1a, b1a = lin(ks[4], H, H)
    W1b, b1b = lin(ks[5], H, H)
    Wout, bout = lin(ks[6], H, OUT)
    eps0 = jnp.zeros((), dtype=jnp.float32)
    eps1 = jnp.zeros((), dtype=jnp.float32)
    g0 = jnp.ones((H,), dtype=jnp.float32)
    be0 = jnp.zeros((H,), dtype=jnp.float32)
    g1 = jnp.ones((H,), dtype=jnp.float32)
    be1 = jnp.zeros((H,), dtype=jnp.float32)
    return {
        'x': x, 'edge_index': edge_index,
        'eps0': eps0, 'W0a': W0a, 'b0a': b0a, 'W0b': W0b, 'b0b': b0b, 'g0': g0, 'be0': be0,
        'eps1': eps1, 'W1a': W1a, 'b1a': b1a, 'W1b': W1b, 'b1b': b1b, 'g1': g1, 'be1': be1,
        'Wout': Wout, 'bout': bout,
    }


def _bn_eval(h, gamma, beta):
    # eval-mode BatchNorm1d with running_mean=0, running_var=1
    rm = jnp.zeros((h.shape[1],), dtype=h.dtype)
    rv = jnp.ones((h.shape[1],), dtype=h.dtype)
    return (h - rm) / jnp.sqrt(rv + 1e-5) * gamma + beta


def _gin_conv(x, edge_index, eps, Wa, ba, Wb, bb):
    src = edge_index[0]
    dst = edge_index[1]
    # sum-aggregate neighbor features (gather + scatter-add)
    agg = jax.ops.segment_sum(jnp.take(x, src, axis=0), dst, num_segments=N)
    h = (1.0 + eps) * x + agg
    h = jnp.maximum(h @ Wa + ba, 0.0)
    return h @ Wb + bb


def reference(x, edge_index, eps0, W0a, b0a, W0b, b0b, g0, be0, eps1, W1a, b1a, W1b, b1b, g1, be1, Wout, bout):
    h = _gin_conv(x, edge_index, eps0, W0a, b0a, W0b, b0b)
    h = _bn_eval(h, g0, be0)
    h = jnp.maximum(h, 0.0)
    # dropout is identity in eval mode
    h = _gin_conv(h, edge_index, eps1, W1a, b1a, W1b, b1b)
    h = _bn_eval(h, g1, be1)
    h = jnp.maximum(h, 0.0)
    logits = h @ Wout + bout
    return jax.nn.log_softmax(logits, axis=-1)

if __name__ == "__main__":
    import jax
    _d = setup_inputs()
    print(jax.jit(kernel)(*tuple(_d.values())))

</pallas_src>

<mosaic_0001>
#map = affine_map<(d0, d1) -> (0, 0)>
#map1 = affine_map<(d0, d1) -> (0)>
module attributes {stable_mosaic.version = 14 : i64} {
  func.func @agg(%arg0: i32, %arg1: i32, %arg2: memref<10000x64xf32, #tpu.memory_space<hbm>>, %arg3: memref<327680xi32, #tpu.memory_space<hbm>>, %arg4: memref<327680xi32, #tpu.memory_space<hbm>>, %arg5: memref<632x64xf32, #tpu.memory_space<hbm>>, %arg6: memref<20224x64xf32, #tpu.memory_space<hbm>>, %arg7: memref<512xi32, #tpu.memory_space<vmem>>, %arg8: memref<512xi32, #tpu.memory_space<vmem>>, %arg9: memref<512xi32, #tpu.memory_space<vmem>>, %arg10: memref<512xi32, #tpu.memory_space<vmem>>, %arg11: memref<512x64xf32, #tpu.memory_space<vmem>>, %arg12: memref<512x64xf32, #tpu.memory_space<vmem>>, %arg13: memref<10112x64xf32, #tpu.memory_space<vmem_shared>>, %arg14: memref<!tpu.dma_semaphore, #tpu.memory_space<semaphore_mem>>, %arg15: memref<!tpu.dma_semaphore, #tpu.memory_space<semaphore_mem>>) attributes {dimension_semantics = [#tpu.dimension_semantics<core_parallel>, #tpu.dimension_semantics<subcore_parallel>], iteration_bounds = array<i64: 2, 16>, scalar_prefetch = 0 : i64, scratch_operands = 9 : i64, tpu.core_type = #tpu.core_type<sc_vector_subcore>, window_params = [{transform_indices = #map}, {transform_indices = #map1}, {transform_indices = #map1}, {transform_indices = #map}, {transform_indices = #map}]} {
    %mul3A = arith.constant 2 : i32
    %mul3A_0 = arith.muli %arg1, %mul3A : i32
    %add3A = arith.addi %mul3A_0, %arg0 : i32
    %mul3A_1 = arith.constant 632 : i32
    %mul3A_2 = arith.muli %arg1, %mul3A_1 : i32
    "tpu.region"() ({
      %run_scoped3A = tpu.sem_alloc : memref<!tpu.dma_semaphore, #tpu.memory_space<semaphore_mem>>
      %dma_start3A = arith.constant 0 : i32
      %dma_start3A_16 = tpu.memref_slice %arg13[%mul3A_2, %dma_start3A] : memref<10112x64xf32, #tpu.memory_space<vmem_shared>> -> memref<632x64xf32, #tpu.memory_space<vmem_shared>>
      tpu.enqueue_dma source(%arg5 : memref<632x64xf32, #tpu.memory_space<hbm>>) target(%dma_start3A_16 : memref<632x64xf32, #tpu.memory_space<vmem_shared>>) target_semaphore(%run_scoped3A : memref<!tpu.dma_semaphore, #tpu.memory_space<semaphore_mem>>)
      %dma_wait3A = arith.constant 0 : i32
      %dma_wait3A_17 = tpu.memref_slice %arg13[%mul3A_2, %dma_wait3A] : memref<10112x64xf32, #tpu.memory_space<vmem_shared>> -> memref<632x64xf32, #tpu.memory_space<vmem_shared>>
      tpu.wait_dma2 semaphore(%run_scoped3A : memref<!tpu.dma_semaphore, #tpu.memory_space<semaphore_mem>>) src(%arg5 : memref<632x64xf32, #tpu.memory_space<hbm>>) dst(%dma_wait3A_17 : memref<632x64xf32, #tpu.memory_space<vmem_shared>>)
      tpu.yield
    }) : () -> ()
    %barrier3A = arith.constant 0 : index
    tpu.barrier barrier_id(%barrier3A)
    %mul3A_3 = arith.constant 20 : i32
    %mul3A_4 = arith.muli %add3A, %mul3A_3 : i32
    %mul3A_5 = arith.constant 512 : i32
    %mul3A_6 = arith.muli %mul3A_4, %mul3A_5 : i32
    %scan3A = arith.constant 0 : i32
    %scan3A_7 = arith.constant 0 : i32
    %scan3A_8 = arith.constant 10 : i32
    %scan3A_9 = arith.addi %scan3A_7, %scan3A_8 : i32
    %scan3A_10 = arith.constant 1 : i32
    scf.for %scan3A_16 = %scan3A_7 to %scan3A_9 step %scan3A_10  : i32 {
      %mul3A_17 = arith.constant 2 : i32
      %mul3A_18 = arith.muli %mul3A_17, %scan3A_16 : i32
      %mul3A_19 = arith.constant 512 : i32
      %mul3A_20 = arith.muli %mul3A_18, %mul3A_19 : i32
      %add3A_21 = arith.addi %mul3A_6, %mul3A_20 : i32
      %add3A_22 = arith.constant 0 : i32
      %add3A_23 = arith.addi %add3A_21, %add3A_22 : i32
      "tpu.region"() ({
        %run_scoped3A = tpu.sem_alloc : memref<!tpu.dma_semaphore, #tpu.memory_space<semaphore_mem>>
        %dma_start3A_40 = tpu.memref_slice %arg3[%add3A_23] : memref<327680xi32, #tpu.memory_space<hbm>> -> memref<512xi32, #tpu.memory_space<hbm>>
        %dma_start3A_41 = tpu.memref_slice %arg3[%add3A_23] : memref<327680xi32, #tpu.memory_space<hbm>> -> memref<512xi32, #tpu.memory_space<hbm>>
        tpu.enqueue_dma source(%dma_start3A_41 : memref<512xi32, #tpu.memory_space<hbm>>) target(%arg7 : memref<512xi32, #tpu.memory_space<vmem>>) target_semaphore(%run_scoped3A : memref<!tpu.dma_semaphore, #tpu.memory_space<semaphore_mem>>)
        %dma_wait3A_42 = tpu.memref_slice %arg3[%add3A_23] : memref<327680xi32, #tpu.memory_space<hbm>> -> memref<512xi32, #tpu.memory_space<hbm>>
        %dma_wait3A_43 = tpu.memref_slice %arg3[%add3A_23] : memref<327680xi32, #tpu.memory_space<hbm>> -> memref<512xi32, #tpu.memory_space<hbm>>
        tpu.wait_dma2 semaphore(%run_scoped3A : memref<!tpu.dma_semaphore, #tpu.memory_space<semaphore_mem>>) src(%dma_wait3A_43 : memref<512xi32, #tpu.memory_space<hbm>>) dst(%arg7 : memref<512xi32, #tpu.memory_space<vmem>>)
        tpu.yield
      }) : () -> ()
      %add3A_24 = arith.constant 0 : i32
      %add3A_25 = arith.addi %add3A_21, %add3A_24 : i32
      "tpu.region"() ({
        %run_scoped3A = tpu.sem_alloc : memref<!tpu.dma_semaphore, #tpu.memory_space<semaphore_mem>>
        %dma_start3A_40 = tpu.memref_slice %arg4[%add3A_25] : memref<327680xi32, #tpu.memory_space<hbm>> -> memref<512xi32, #tpu.memory_space<hbm>>
        %dma_start3A_41 = tpu.memref_slice %arg4[%add3A_25] : memref<327680xi32, #tpu.memory_space<hbm>> -> memref<512xi32, #tpu.memory_space<hbm>>
        tpu.enqueue_dma source(%dma_start3A_41 : memref<512xi32, #tpu.memory_space<hbm>>) target(%arg9 : memref<512xi32, #tpu.memory_space<vmem>>) target_semaphore(%run_scoped3A : memref<!tpu.dma_semaphore, #tpu.memory_space<semaphore_mem>>)
        %dma_wait3A_42 = tpu.memref_slice %arg4[%add3A_25] : memref<327680xi32, #tpu.memory_space<hbm>> -> memref<512xi32, #tpu.memory_space<hbm>>
        %dma_wait3A_43 = tpu.memref_slice %arg4[%add3A_25] : memref<327680xi32, #tpu.memory_space<hbm>> -> memref<512xi32, #tpu.memory_space<hbm>>
        tpu.wait_dma2 semaphore(%run_scoped3A : memref<!tpu.dma_semaphore, #tpu.memory_space<semaphore_mem>>) src(%dma_wait3A_43 : memref<512xi32, #tpu.memory_space<hbm>>) dst(%arg9 : memref<512xi32, #tpu.memory_space<vmem>>)
        tpu.yield
      }) : () -> ()
      %dma_start3A = arith.constant 0 : i32
      %dma_start3A_26 = arith.constant 0 : i32
      %dma_start3A_27 = tpu.memref_slice %arg2[%dma_start3A, %dma_start3A_26] : memref<10000x64xf32, #tpu.memory_space<hbm>> -> memref<10000x64xf32, #tpu.memory_space<hbm>>
      tpu.enqueue_indirect_dma source(%dma_start3A_27 : memref<10000x64xf32, #tpu.memory_space<hbm>>) target(%arg11 : memref<512x64xf32, #tpu.memory_space<vmem>>) offsets(%arg7 : memref<512xi32, #tpu.memory_space<vmem>>) semaphore(%arg14 : memref<!tpu.dma_semaphore, #tpu.memory_space<semaphore_mem>>)
      %add3A_28 = arith.constant 512 : i32
      %add3A_29 = arith.addi %add3A_21, %add3A_28 : i32
      "tpu.region"() ({
        %run_scoped3A = tpu.sem_alloc : memref<!tpu.dma_semaphore, #tpu.memory_space<semaphore_mem>>
        %dma_start3A_40 = tpu.memref_slice %arg3[%add3A_29] : memref<327680xi32, #tpu.memory_space<hbm>> -> memref<512xi32, #tpu.memory_space<hbm>>
        %dma_start3A_41 = tpu.memref_slice %arg3[%add3A_29] : memref<327680xi32, #tpu.memory_space<hbm>> -> memref<512xi32, #tpu.memory_space<hbm>>
        tpu.enqueue_dma source(%dma_start3A_41 : memref<512xi32, #tpu.memory_space<hbm>>) target(%arg8 : memref<512xi32, #tpu.memory_space<vmem>>) target_semaphore(%run_scoped3A : memref<!tpu.dma_semaphore, #tpu.memory_space<semaphore_mem>>)
        %dma_wait3A_42 = tpu.memref_slice %arg3[%add3A_29] : memref<327680xi32, #tpu.memory_space<hbm>> -> memref<512xi32, #tpu.memory_space<hbm>>
        %dma_wait3A_43 = tpu.memref_slice %arg3[%add3A_29] : memref<327680xi32, #tpu.memory_space<hbm>> -> memref<512xi32, #tpu.memory_space<hbm>>
        tpu.wait_dma2 semaphore(%run_scoped3A : memref<!tpu.dma_semaphore, #tpu.memory_space<semaphore_mem>>) src(%dma_wait3A_43 : memref<512xi32, #tpu.memory_space<hbm>>) dst(%arg8 : memref<512xi32, #tpu.memory_space<vmem>>)
        tpu.yield
      }) : () -> ()
      %add3A_30 = arith.constant 512 : i32
      %add3A_31 = arith.addi %add3A_21, %add3A_30 : i32
      "tpu.region"() ({
        %run_scoped3A = tpu.sem_alloc : memref<!tpu.dma_semaphore, #tpu.memory_space<semaphore_mem>>
        %dma_start3A_40 = tpu.memref_slice %arg4[%add3A_31] : memref<327680xi32, #tpu.memory_space<hbm>> -> memref<512xi32, #tpu.memory_space<hbm>>
        %dma_start3A_41 = tpu.memref_slice %arg4[%add3A_31] : memref<327680xi32, #tpu.memory_space<hbm>> -> memref<512xi32, #tpu.memory_space<hbm>>
        tpu.enqueue_dma source(%dma_start3A_41 : memref<512xi32, #tpu.memory_space<hbm>>) target(%arg10 : memref<512xi32, #tpu.memory_space<vmem>>) target_semaphore(%run_scoped3A : memref<!tpu.dma_semaphore, #tpu.memory_space<semaphore_mem>>)
        %dma_wait3A_42 = tpu.memref_slice %arg4[%add3A_31] : memref<327680xi32, #tpu.memory_space<hbm>> -> memref<512xi32, #tpu.memory_space<hbm>>
        %dma_wait3A_43 = tpu.memref_slice %arg4[%add3A_31] : memref<327680xi32, #tpu.memory_space<hbm>> -> memref<512xi32, #tpu.memory_space<hbm>>
        tpu.wait_dma2 semaphore(%run_scoped3A : memref<!tpu.dma_semaphore, #tpu.memory_space<semaphore_mem>>) src(%dma_wait3A_43 : memref<512xi32, #tpu.memory_space<hbm>>) dst(%arg10 : memref<512xi32, #tpu.memory_space<vmem>>)
        tpu.yield
      }) : () -> ()
      %dma_start3A_32 = arith.constant 0 : i32
      %dma_start3A_33 = arith.constant 0 : i32
      %dma_start3A_34 = tpu.memref_slice %arg2[%dma_start3A_32, %dma_start3A_33] : memref<10000x64xf32, #tpu.memory_space<hbm>> -> memref<10000x64xf32, #tpu.memory_space<hbm>>
      tpu.enqueue_indirect_dma source(%dma_start3A_34 : memref<10000x64xf32, #tpu.memory_space<hbm>>) target(%arg12 : memref<512x64xf32, #tpu.memory_space<vmem>>) offsets(%arg8 : memref<512xi32, #tpu.memory_space<vmem>>) semaphore(%arg15 : memref<!tpu.dma_semaphore, #tpu.memory_space<semaphore_mem>>)
      %dma_wait3A = arith.constant 0 : i32
      %dma_wait3A_35 = arith.constant 0 : i32
      %dma_wait3A_36 = tpu.memref_slice %arg2[%dma_wait3A, %dma_wait3A_35] : memref<10000x64xf32, #tpu.memory_space<hbm>> -> memref<10000x64xf32, #tpu.memory_space<hbm>>
      tpu.wait_indirect_dma semaphore(%arg14 : memref<!tpu.dma_semaphore, #tpu.memory_space<semaphore_mem>>) src(%dma_wait3A_36 : memref<10000x64xf32, #tpu.memory_space<hbm>>) dst(%arg11 : memref<512x64xf32, #tpu.memory_space<vmem>>)
      "tpu.region"() ({
        %run_scoped3A = tpu.sem_alloc : memref<!tpu.dma_semaphore, #tpu.memory_space<semaphore_mem>>
        %dma_start3A_40 = arith.constant 0 : i32
        %dma_start3A_41 = arith.constant 0 : i32
        %dma_start3A_42 = tpu.memref_slice %arg13[%dma_start3A_40, %dma_start3A_41] : memref<10112x64xf32, #tpu.memory_space<vmem_shared>> -> memref<10112x64xf32, #tpu.memory_space<vmem_shared>>
        tpu.enqueue_indirect_dma source(%arg11 : memref<512x64xf32, #tpu.memory_space<vmem>>) target(%dma_start3A_42 : memref<10112x64xf32, #tpu.memory_space<vmem_shared>>) offsets(%arg9 : memref<512xi32, #tpu.memory_space<vmem>>) semaphore(%run_scoped3A : memref<!tpu.dma_semaphore, #tpu.memory_space<semaphore_mem>>) {add = true}
        %dma_wait3A_43 = arith.constant 0 : i32
        %dma_wait3A_44 = arith.constant 0 : i32
        %dma_wait3A_45 = tpu.memref_slice %arg13[%dma_wait3A_43, %dma_wait3A_44] : memref<10112x64xf32, #tpu.memory_space<vmem_shared>> -> memref<10112x64xf32, #tpu.memory_space<vmem_shared>>
        tpu.wait_indirect_dma semaphore(%run_scoped3A : memref<!tpu.dma_semaphore, #tpu.memory_space<semaphore_mem>>) src(%arg11 : memref<512x64xf32, #tpu.memory_space<vmem>>) dst(%dma_wait3A_45 : memref<10112x64xf32, #tpu.memory_space<vmem_shared>>)
        tpu.yield
      }) : () -> ()
      %dma_wait3A_37 = arith.constant 0 : i32
      %dma_wait3A_38 = arith.constant 0 : i32
      %dma_wait3A_39 = tpu.memref_slice %arg2[%dma_wait3A_37, %dma_wait3A_38] : memref<10000x64xf32, #tpu.memory_space<hbm>> -> memref<10000x64xf32, #tpu.memory_space<hbm>>
      tpu.wait_indirect_dma semaphore(%arg15 : memref<!tpu.dma_semaphore, #tpu.memory_space<semaphore_mem>>) src(%dma_wait3A_39 : memref<10000x64xf32, #tpu.memory_space<hbm>>) dst(%arg12 : memref<512x64xf32, #tpu.memory_space<vmem>>)
      "tpu.region"() ({
        %run_scoped3A = tpu.sem_alloc : memref<!tpu.dma_semaphore, #tpu.memory_space<semaphore_mem>>
        %dma_start3A_40 = arith.constant 0 : i32
        %dma_start3A_41 = arith.constant 0 : i32
        %dma_start3A_42 = tpu.memref_slice %arg13[%dma_start3A_40, %dma_start3A_41] : memref<10112x64xf32, #tpu.memory_space<vmem_shared>> -> memref<10112x64xf32, #tpu.memory_space<vmem_shared>>
        tpu.enqueue_indirect_dma source(%arg12 : memref<512x64xf32, #tpu.memory_space<vmem>>) target(%dma_start3A_42 : memref<10112x64xf32, #tpu.memory_space<vmem_shared>>) offsets(%arg10 : memref<512xi32, #tpu.memory_space<vmem>>) semaphore(%run_scoped3A : memref<!tpu.dma_semaphore, #tpu.memory_space<semaphore_mem>>) {add = true}
        %dma_wait3A_43 = arith.constant 0 : i32
        %dma_wait3A_44 = arith.constant 0 : i32
        %dma_wait3A_45 = tpu.memref_slice %arg13[%dma_wait3A_43, %dma_wait3A_44] : memref<10112x64xf32, #tpu.memory_space<vmem_shared>> -> memref<10112x64xf32, #tpu.memory_space<vmem_shared>>
        tpu.wait_indirect_dma semaphore(%run_scoped3A : memref<!tpu.dma_semaphore, #tpu.memory_space<semaphore_mem>>) src(%arg12 : memref<512x64xf32, #tpu.memory_space<vmem>>) dst(%dma_wait3A_45 : memref<10112x64xf32, #tpu.memory_space<vmem_shared>>)
        tpu.yield
      }) : () -> ()
    }
    %scan3A_11 = arith.constant 10 : i32
    %barrier3A_12 = arith.constant 0 : index
    tpu.barrier barrier_id(%barrier3A_12)
    %mul3A_13 = arith.constant 10112 : i32
    %mul3A_14 = arith.muli %arg0, %mul3A_13 : i32
    %add3A_15 = arith.addi %mul3A_14, %mul3A_2 : i32
    "tpu.region"() ({
      %run_scoped3A = tpu.sem_alloc : memref<!tpu.dma_semaphore, #tpu.memory_space<semaphore_mem>>
      %dma_start3A = arith.constant 0 : i32
      %dma_start3A_16 = tpu.memref_slice %arg6[%add3A_15, %dma_start3A] : memref<20224x64xf32, #tpu.memory_space<hbm>> -> memref<632x64xf32, #tpu.memory_space<hbm>>
      %dma_start3A_17 = arith.constant 0 : i32
      %dma_start3A_18 = tpu.memref_slice %arg13[%mul3A_2, %dma_start3A_17] : memref<10112x64xf32, #tpu.memory_space<vmem_shared>> -> memref<632x64xf32, #tpu.memory_space<vmem_shared>>
      tpu.enqueue_dma source(%dma_start3A_18 : memref<632x64xf32, #tpu.memory_space<vmem_shared>>) target(%dma_start3A_16 : memref<632x64xf32, #tpu.memory_space<hbm>>) target_semaphore(%run_scoped3A : memref<!tpu.dma_semaphore, #tpu.memory_space<semaphore_mem>>)
      %dma_wait3A = arith.constant 0 : i32
      %dma_wait3A_19 = tpu.memref_slice %arg6[%add3A_15, %dma_wait3A] : memref<20224x64xf32, #tpu.memory_space<hbm>> -> memref<632x64xf32, #tpu.memory_space<hbm>>
      %dma_wait3A_20 = arith.constant 0 : i32
      %dma_wait3A_21 = tpu.memref_slice %arg13[%mul3A_2, %dma_wait3A_20] : memref<10112x64xf32, #tpu.memory_space<vmem_shared>> -> memref<632x64xf32, #tpu.memory_space<vmem_shared>>
      tpu.wait_dma2 semaphore(%run_scoped3A : memref<!tpu.dma_semaphore, #tpu.memory_space<semaphore_mem>>) src(%dma_wait3A_21 : memref<632x64xf32, #tpu.memory_space<vmem_shared>>) dst(%dma_wait3A_19 : memref<632x64xf32, #tpu.memory_space<hbm>>)
      tpu.yield
    }) : () -> ()
    return
  }
}

#map = affine_map<(d0, d1) -> (0, 0)>
#map1 = affine_map<(d0, d1) -> (0)>
module attributes {stable_mosaic.version = 14 : i64} {
  func.func @agg(%arg0: i32, %arg1: i32, %arg2: memref<10000x64xf32, #tpu.memory_space<hbm>>, %arg3: memref<327680xi32, #tpu.memory_space<hbm>>, %arg4: memref<327680xi32, #tpu.memory_space<hbm>>, %arg5: memref<632x64xf32, #tpu.memory_space<hbm>>, %arg6: memref<20224x64xf32, #tpu.memory_space<hbm>>, %arg7: memref<512xi32, #tpu.memory_space<vmem>>, %arg8: memref<512xi32, #tpu.memory_space<vmem>>, %arg9: memref<512xi32, #tpu.memory_space<vmem>>, %arg10: memref<512xi32, #tpu.memory_space<vmem>>, %arg11: memref<512x64xf32, #tpu.memory_space<vmem>>, %arg12: memref<512x64xf32, #tpu.memory_space<vmem>>, %arg13: memref<10112x64xf32, #tpu.memory_space<vmem_shared>>, %arg14: memref<!tpu.dma_semaphore, #tpu.memory_space<semaphore_mem>>, %arg15: memref<!tpu.dma_semaphore, #tpu.memory_space<semaphore_mem>>) attributes {dimension_semantics = [#tpu.dimension_semantics<core_parallel>, #tpu.dimension_semantics<subcore_parallel>], iteration_bounds = array<i64: 2, 16>, scalar_prefetch = 0 : i64, scratch_operands = 9 : i64, tpu.core_type = #tpu.core_type<sc_vector_subcore>, window_params = [{transform_indices = #map}, {transform_indices = #map1}, {transform_indices = #map1}, {transform_indices = #map}, {transform_indices = #map}]} {
    %mul3A = arith.constant 2 : i32
    %mul3A_0 = arith.muli %arg1, %mul3A : i32
    %add3A = arith.addi %mul3A_0, %arg0 : i32
    %mul3A_1 = arith.constant 632 : i32
    %mul3A_2 = arith.muli %arg1, %mul3A_1 : i32
    "tpu.region"() ({
      %run_scoped3A = tpu.sem_alloc : memref<!tpu.dma_semaphore, #tpu.memory_space<semaphore_mem>>
      %dma_start3A = arith.constant 0 : i32
      %dma_start3A_16 = tpu.memref_slice %arg13[%mul3A_2, %dma_start3A] : memref<10112x64xf32, #tpu.memory_space<vmem_shared>> -> memref<632x64xf32, #tpu.memory_space<vmem_shared>>
      tpu.enqueue_dma source(%arg5 : memref<632x64xf32, #tpu.memory_space<hbm>>) target(%dma_start3A_16 : memref<632x64xf32, #tpu.memory_space<vmem_shared>>) target_semaphore(%run_scoped3A : memref<!tpu.dma_semaphore, #tpu.memory_space<semaphore_mem>>)
      %dma_wait3A = arith.constant 0 : i32
      %dma_wait3A_17 = tpu.memref_slice %arg13[%mul3A_2, %dma_wait3A] : memref<10112x64xf32, #tpu.memory_space<vmem_shared>> -> memref<632x64xf32, #tpu.memory_space<vmem_shared>>
      tpu.wait_dma2 semaphore(%run_scoped3A : memref<!tpu.dma_semaphore, #tpu.memory_space<semaphore_mem>>) src(%arg5 : memref<632x64xf32, #tpu.memory_space<hbm>>) dst(%dma_wait3A_17 : memref<632x64xf32, #tpu.memory_space<vmem_shared>>)
      tpu.yield
    }) : () -> ()
    %barrier3A = arith.constant 0 : index
    tpu.barrier barrier_id(%barrier3A)
    %mul3A_3 = arith.constant 20 : i32
    %mul3A_4 = arith.muli %add3A, %mul3A_3 : i32
    %mul3A_5 = arith.constant 512 : i32
    %mul3A_6 = arith.muli %mul3A_4, %mul3A_5 : i32
    %scan3A = arith.constant 0 : i32
    %scan3A_7 = arith.constant 0 : i32
    %scan3A_8 = arith.constant 10 : i32
    %scan3A_9 = arith.addi %scan3A_7, %scan3A_8 : i32
    %scan3A_10 = arith.constant 1 : i32
    scf.for %scan3A_16 = %scan3A_7 to %scan3A_9 step %scan3A_10  : i32 {
      %mul3A_17 = arith.constant 2 : i32
      %mul3A_18 = arith.muli %mul3A_17, %scan3A_16 : i32
      %mul3A_19 = arith.constant 512 : i32
      %mul3A_20 = arith.muli %mul3A_18, %mul3A_19 : i32
      %add3A_21 = arith.addi %mul3A_6, %mul3A_20 : i32
      %add3A_22 = arith.constant 0 : i32
      %add3A_23 = arith.addi %add3A_21, %add3A_22 : i32
      "tpu.region"() ({
        %run_scoped3A = tpu.sem_alloc : memref<!tpu.dma_semaphore, #tpu.memory_space<semaphore_mem>>
        %dma_start3A_40 = tpu.memref_slice %arg3[%add3A_23] : memref<327680xi32, #tpu.memory_space<hbm>> -> memref<512xi32, #tpu.memory_space<hbm>>
        %dma_start3A_41 = tpu.memref_slice %arg3[%add3A_23] : memref<327680xi32, #tpu.memory_space<hbm>> -> memref<512xi32, #tpu.memory_space<hbm>>
        tpu.enqueue_dma source(%dma_start3A_41 : memref<512xi32, #tpu.memory_space<hbm>>) target(%arg7 : memref<512xi32, #tpu.memory_space<vmem>>) target_semaphore(%run_scoped3A : memref<!tpu.dma_semaphore, #tpu.memory_space<semaphore_mem>>)
        %dma_wait3A_42 = tpu.memref_slice %arg3[%add3A_23] : memref<327680xi32, #tpu.memory_space<hbm>> -> memref<512xi32, #tpu.memory_space<hbm>>
        %dma_wait3A_43 = tpu.memref_slice %arg3[%add3A_23] : memref<327680xi32, #tpu.memory_space<hbm>> -> memref<512xi32, #tpu.memory_space<hbm>>
        tpu.wait_dma2 semaphore(%run_scoped3A : memref<!tpu.dma_semaphore, #tpu.memory_space<semaphore_mem>>) src(%dma_wait3A_43 : memref<512xi32, #tpu.memory_space<hbm>>) dst(%arg7 : memref<512xi32, #tpu.memory_space<vmem>>)
        tpu.yield
      }) : () -> ()
      %add3A_24 = arith.constant 0 : i32
      %add3A_25 = arith.addi %add3A_21, %add3A_24 : i32
      "tpu.region"() ({
        %run_scoped3A = tpu.sem_alloc : memref<!tpu.dma_semaphore, #tpu.memory_space<semaphore_mem>>
        %dma_start3A_40 = tpu.memref_slice %arg4[%add3A_25] : memref<327680xi32, #tpu.memory_space<hbm>> -> memref<512xi32, #tpu.memory_space<hbm>>
        %dma_start3A_41 = tpu.memref_slice %arg4[%add3A_25] : memref<327680xi32, #tpu.memory_space<hbm>> -> memref<512xi32, #tpu.memory_space<hbm>>
        tpu.enqueue_dma source(%dma_start3A_41 : memref<512xi32, #tpu.memory_space<hbm>>) target(%arg9 : memref<512xi32, #tpu.memory_space<vmem>>) target_semaphore(%run_scoped3A : memref<!tpu.dma_semaphore, #tpu.memory_space<semaphore_mem>>)
        %dma_wait3A_42 = tpu.memref_slice %arg4[%add3A_25] : memref<327680xi32, #tpu.memory_space<hbm>> -> memref<512xi32, #tpu.memory_space<hbm>>
        %dma_wait3A_43 = tpu.memref_slice %arg4[%add3A_25] : memref<327680xi32, #tpu.memory_space<hbm>> -> memref<512xi32, #tpu.memory_space<hbm>>
        tpu.wait_dma2 semaphore(%run_scoped3A : memref<!tpu.dma_semaphore, #tpu.memory_space<semaphore_mem>>) src(%dma_wait3A_43 : memref<512xi32, #tpu.memory_space<hbm>>) dst(%arg9 : memref<512xi32, #tpu.memory_space<vmem>>)
        tpu.yield
      }) : () -> ()
      %dma_start3A = arith.constant 0 : i32
      %dma_start3A_26 = arith.constant 0 : i32
      %dma_start3A_27 = tpu.memref_slice %arg2[%dma_start3A, %dma_start3A_26] : memref<10000x64xf32, #tpu.memory_space<hbm>> -> memref<10000x64xf32, #tpu.memory_space<hbm>>
      tpu.enqueue_indirect_dma source(%dma_start3A_27 : memref<10000x64xf32, #tpu.memory_space<hbm>>) target(%arg11 : memref<512x64xf32, #tpu.memory_space<vmem>>) offsets(%arg7 : memref<512xi32, #tpu.memory_space<vmem>>) semaphore(%arg14 : memref<!tpu.dma_semaphore, #tpu.memory_space<semaphore_mem>>)
      %add3A_28 = arith.constant 512 : i32
      %add3A_29 = arith.addi %add3A_21, %add3A_28 : i32
      "tpu.region"() ({
        %run_scoped3A = tpu.sem_alloc : memref<!tpu.dma_semaphore, #tpu.memory_space<semaphore_mem>>
        %dma_start3A_40 = tpu.memref_slice %arg3[%add3A_29] : memref<327680xi32, #tpu.memory_space<hbm>> -> memref<512xi32, #tpu.memory_space<hbm>>
        %dma_start3A_41 = tpu.memref_slice %arg3[%add3A_29] : memref<327680xi32, #tpu.memory_space<hbm>> -> memref<512xi32, #tpu.memory_space<hbm>>
        tpu.enqueue_dma source(%dma_start3A_41 : memref<512xi32, #tpu.memory_space<hbm>>) target(%arg8 : memref<512xi32, #tpu.memory_space<vmem>>) target_semaphore(%run_scoped3A : memref<!tpu.dma_semaphore, #tpu.memory_space<semaphore_mem>>)
        %dma_wait3A_42 = tpu.memref_slice %arg3[%add3A_29] : memref<327680xi32, #tpu.memory_space<hbm>> -> memref<512xi32, #tpu.memory_space<hbm>>
        %dma_wait3A_43 = tpu.memref_slice %arg3[%add3A_29] : memref<327680xi32, #tpu.memory_space<hbm>> -> memref<512xi32, #tpu.memory_space<hbm>>
        tpu.wait_dma2 semaphore(%run_scoped3A : memref<!tpu.dma_semaphore, #tpu.memory_space<semaphore_mem>>) src(%dma_wait3A_43 : memref<512xi32, #tpu.memory_space<hbm>>) dst(%arg8 : memref<512xi32, #tpu.memory_space<vmem>>)
        tpu.yield
      }) : () -> ()
      %add3A_30 = arith.constant 512 : i32
      %add3A_31 = arith.addi %add3A_21, %add3A_30 : i32
      "tpu.region"() ({
        %run_scoped3A = tpu.sem_alloc : memref<!tpu.dma_semaphore, #tpu.memory_space<semaphore_mem>>
        %dma_start3A_40 = tpu.memref_slice %arg4[%add3A_31] : memref<327680xi32, #tpu.memory_space<hbm>> -> memref<512xi32, #tpu.memory_space<hbm>>
        %dma_start3A_41 = tpu.memref_slice %arg4[%add3A_31] : memref<327680xi32, #tpu.memory_space<hbm>> -> memref<512xi32, #tpu.memory_space<hbm>>
        tpu.enqueue_dma source(%dma_start3A_41 : memref<512xi32, #tpu.memory_space<hbm>>) target(%arg10 : memref<512xi32, #tpu.memory_space<vmem>>) target_semaphore(%run_scoped3A : memref<!tpu.dma_semaphore, #tpu.memory_space<semaphore_mem>>)
        %dma_wait3A_42 = tpu.memref_slice %arg4[%add3A_31] : memref<327680xi32, #tpu.memory_space<hbm>> -> memref<512xi32, #tpu.memory_space<hbm>>
        %dma_wait3A_43 = tpu.memref_slice %arg4[%add3A_31] : memref<327680xi32, #tpu.memory_space<hbm>> -> memref<512xi32, #tpu.memory_space<hbm>>
        tpu.wait_dma2 semaphore(%run_scoped3A : memref<!tpu.dma_semaphore, #tpu.memory_space<semaphore_mem>>) src(%dma_wait3A_43 : memref<512xi32, #tpu.memory_space<hbm>>) dst(%arg10 : memref<512xi32, #tpu.memory_space<vmem>>)
        tpu.yield
      }) : () -> ()
      %dma_start3A_32 = arith.constant 0 : i32
      %dma_start3A_33 = arith.constant 0 : i32
      %dma_start3A_34 = tpu.memref_slice %arg2[%dma_start3A_32, %dma_start3A_33] : memref<10000x64xf32, #tpu.memory_space<hbm>> -> memref<10000x64xf32, #tpu.memory_space<hbm>>
      tpu.enqueue_indirect_dma source(%dma_start3A_34 : memref<10000x64xf32, #tpu.memory_space<hbm>>) target(%arg12 : memref<512x64xf32, #tpu.memory_space<vmem>>) offsets(%arg8 : memref<512xi32, #tpu.memory_space<vmem>>) semaphore(%arg15 : memref<!tpu.dma_semaphore, #tpu.memory_space<semaphore_mem>>)
      %dma_wait3A = arith.constant 0 : i32
      %dma_wait3A_35 = arith.constant 0 : i32
      %dma_wait3A_36 = tpu.memref_slice %arg2[%dma_wait3A, %dma_wait3A_35] : memref<10000x64xf32, #tpu.memory_space<hbm>> -> memref<10000x64xf32, #tpu.memory_space<hbm>>
      tpu.wait_indirect_dma semaphore(%arg14 : memref<!tpu.dma_semaphore, #tpu.memory_space<semaphore_mem>>) src(%dma_wait3A_36 : memref<10000x64xf32, #tpu.memory_space<hbm>>) dst(%arg11 : memref<512x64xf32, #tpu.memory_space<vmem>>)
      "tpu.region"() ({
        %run_scoped3A = tpu.sem_alloc : memref<!tpu.dma_semaphore, #tpu.memory_space<semaphore_mem>>
        %dma_start3A_40 = arith.constant 0 : i32
        %dma_start3A_41 = arith.constant 0 : i32
        %dma_start3A_42 = tpu.memref_slice %arg13[%dma_start3A_40, %dma_start3A_41] : memref<10112x64xf32, #tpu.memory_space<vmem_shared>> -> memref<10112x64xf32, #tpu.memory_space<vmem_shared>>
        tpu.enqueue_indirect_dma source(%arg11 : memref<512x64xf32, #tpu.memory_space<vmem>>) target(%dma_start3A_42 : memref<10112x64xf32, #tpu.memory_space<vmem_shared>>) offsets(%arg9 : memref<512xi32, #tpu.memory_space<vmem>>) semaphore(%run_scoped3A : memref<!tpu.dma_semaphore, #tpu.memory_space<semaphore_mem>>) {add = true}
        %dma_wait3A_43 = arith.constant 0 : i32
        %dma_wait3A_44 = arith.constant 0 : i32
        %dma_wait3A_45 = tpu.memref_slice %arg13[%dma_wait3A_43, %dma_wait3A_44] : memref<10112x64xf32, #tpu.memory_space<vmem_shared>> -> memref<10112x64xf32, #tpu.memory_space<vmem_shared>>
        tpu.wait_indirect_dma semaphore(%run_scoped3A : memref<!tpu.dma_semaphore, #tpu.memory_space<semaphore_mem>>) src(%arg11 : memref<512x64xf32, #tpu.memory_space<vmem>>) dst(%dma_wait3A_45 : memref<10112x64xf32, #tpu.memory_space<vmem_shared>>)
        tpu.yield
      }) : () -> ()
      %dma_wait3A_37 = arith.constant 0 : i32
      %dma_wait3A_38 = arith.constant 0 : i32
      %dma_wait3A_39 = tpu.memref_slice %arg2[%dma_wait3A_37, %dma_wait3A_38] : memref<10000x64xf32, #tpu.memory_space<hbm>> -> memref<10000x64xf32, #tpu.memory_space<hbm>>
      tpu.wait_indirect_dma semaphore(%arg15 : memref<!tpu.dma_semaphore, #tpu.memory_space<semaphore_mem>>) src(%dma_wait3A_39 : memref<10000x64xf32, #tpu.memory_space<hbm>>) dst(%arg12 : memref<512x64xf32, #tpu.memory_space<vmem>>)
      "tpu.region"() ({
        %run_scoped3A = tpu.sem_alloc : memref<!tpu.dma_semaphore, #tpu.memory_space<semaphore_mem>>
        %dma_start3A_40 = arith.constant 0 : i32
        %dma_start3A_41 = arith.constant 0 : i32
        %dma_start3A_42 = tpu.memref_slice %arg13[%dma_start3A_40, %dma_start3A_41] : memref<10112x64xf32, #tpu.memory_space<vmem_shared>> -> memref<10112x64xf32, #tpu.memory_space<vmem_shared>>
        tpu.enqueue_indirect_dma source(%arg12 : memref<512x64xf32, #tpu.memory_space<vmem>>) target(%dma_start3A_42 : memref<10112x64xf32, #tpu.memory_space<vmem_shared>>) offsets(%arg10 : memref<512xi32, #tpu.memory_space<vmem>>) semaphore(%run_scoped3A : memref<!tpu.dma_semaphore, #tpu.memory_space<semaphore_mem>>) {add = true}
        %dma_wait3A_43 = arith.constant 0 : i32
        %dma_wait3A_44 = arith.constant 0 : i32
        %dma_wait3A_45 = tpu.memref_slice %arg13[%dma_wait3A_43, %dma_wait3A_44] : memref<10112x64xf32, #tpu.memory_space<vmem_shared>> -> memref<10112x64xf32, #tpu.memory_space<vmem_shared>>
        tpu.wait_indirect_dma semaphore(%run_scoped3A : memref<!tpu.dma_semaphore, #tpu.memory_space<semaphore_mem>>) src(%arg12 : memref<512x64xf32, #tpu.memory_space<vmem>>) dst(%dma_wait3A_45 : memref<10112x64xf32, #tpu.memory_space<vmem_shared>>)
        tpu.yield
      }) : () -> ()
    }
    %scan3A_11 = arith.constant 10 : i32
    %barrier3A_12 = arith.constant 0 : index
    tpu.barrier barrier_id(%barrier3A_12)
    %mul3A_13 = arith.constant 10112 : i32
    %mul3A_14 = arith.muli %arg0, %mul3A_13 : i32
    %add3A_15 = arith.addi %mul3A_14, %mul3A_2 : i32
    "tpu.region"() ({
      %run_scoped3A = tpu.sem_alloc : memref<!tpu.dma_semaphore, #tpu.memory_space<semaphore_mem>>
      %dma_start3A = arith.constant 0 : i32
      %dma_start3A_16 = tpu.memref_slice %arg6[%add3A_15, %dma_start3A] : memref<20224x64xf32, #tpu.memory_space<hbm>> -> memref<632x64xf32, #tpu.memory_space<hbm>>
      %dma_start3A_17 = arith.constant 0 : i32
      %dma_start3A_18 = tpu.memref_slice %arg13[%mul3A_2, %dma_start3A_17] : memref<10112x64xf32, #tpu.memory_space<vmem_shared>> -> memref<632x64xf32, #tpu.memory_space<vmem_shared>>
      tpu.enqueue_dma source(%dma_start3A_18 : memref<632x64xf32, #tpu.memory_space<vmem_shared>>) target(%dma_start3A_16 : memref<632x64xf32, #tpu.memory_space<hbm>>) target_semaphore(%run_scoped3A : memref<!tpu.dma_semaphore, #tpu.memory_space<semaphore_mem>>)
      %dma_wait3A = arith.constant 0 : i32
      %dma_wait3A_19 = tpu.memref_slice %arg6[%add3A_15, %dma_wait3A] : memref<20224x64xf32, #tpu.memory_space<hbm>> -> memref<632x64xf32, #tpu.memory_space<hbm>>
      %dma_wait3A_20 = arith.constant 0 : i32
      %dma_wait3A_21 = tpu.memref_slice %arg13[%mul3A_2, %dma_wait3A_20] : memref<10112x64xf32, #tpu.memory_space<vmem_shared>> -> memref<632x64xf32, #tpu.memory_space<vmem_shared>>
      tpu.wait_dma2 semaphore(%run_scoped3A : memref<!tpu.dma_semaphore, #tpu.memory_space<semaphore_mem>>) src(%dma_wait3A_21 : memref<632x64xf32, #tpu.memory_space<vmem_shared>>) dst(%dma_wait3A_19 : memref<632x64xf32, #tpu.memory_space<hbm>>)
      tpu.yield
    }) : () -> ()
    return
  }
}

module attributes {stable_mosaic.version = 14 : i64} {
  func.func @body(%arg0: i32, %arg1: memref<1000x256xf32, #tpu.memory_space<vmem>>, %arg2: memref<256x128xf32, #tpu.memory_space<vmem>>, %arg3: memref<1000x128xf32, #tpu.memory_space<vmem>>) attributes {dimension_semantics = [#tpu.dimension_semantics<arbitrary>], iteration_bounds = array<i64: 5>, scalar_prefetch = 0 : i64, scratch_operands = 0 : i64, tpu.core_type = #tpu.core_type<tc>, window_params = [{transform_indices = @transform_0, window_bounds = array<i64: 1000, 256>}, {pipeline_mode = #tpu.pipeline_mode<synchronous>, transform_indices = @transform_1, window_bounds = array<i64: 256, 128>}, {transform_indices = @transform_2, window_bounds = array<i64: 1000, 128>}]} {
    %get3A = arith.constant 0 : index
    %get3A_0 = arith.constant 0 : index
    %get3A_1 = vector.load %arg1[%get3A, %get3A_0] : memref<1000x256xf32, #tpu.memory_space<vmem>>, vector<1000x256xf32>
    %get3A_2 = arith.constant 0 : index
    %get3A_3 = arith.constant 0 : index
    %get3A_4 = vector.load %arg2[%get3A_2, %get3A_3] : memref<256x128xf32, #tpu.memory_space<vmem>>, vector<256x128xf32>
    %dot_general3A = arith.constant dense<0.000000e+00> : vector<1000x128xf32>
    %dot_general3A_5 = tpu.matmul %get3A_1, %get3A_4, %dot_general3A {dimension_numbers = #tpu.dot_dimension_numbers<[1], [0], [0], [1], [0, 0, 1, 1], [], []>, transpose_lhs_hint = false} : vector<1000x256xf32>, vector<256x128xf32>, vector<1000x128xf32> -> vector<1000x128xf32>
    %swap3A = arith.constant 0 : index
    %swap3A_6 = arith.constant 0 : index
    %swap3A_7 = vector.load %arg3[%swap3A, %swap3A_6] : memref<1000x128xf32, #tpu.memory_space<vmem>>, vector<1000x128xf32>
    tpu.vector_store %arg3[%swap3A, %swap3A_6], %dot_general3A_5 {strides = array<i32>} : memref<1000x128xf32, #tpu.memory_space<vmem>>, vector<1000x128xf32>,
    return
  }
  func.func @transform_0(%arg0: i32) -> (i32, i32) {
    %c0_i32 = arith.constant 0 : i32
    %c0_i32_0 = arith.constant 0 : i32
    return %arg0, %c0_i32 : i32, i32
  }
  func.func @transform_1(%arg0: i32) -> (i32, i32) {
    %c0_i32 = arith.constant 0 : i32
    %c0_i32_0 = arith.constant 0 : i32
    %c0_i32_1 = arith.constant 0 : i32
    return %c0_i32, %c0_i32_0 : i32, i32
  }
  func.func @transform_2(%arg0: i32) -> (i32, i32) {
    %c0_i32 = arith.constant 0 : i32
    %c0_i32_0 = arith.constant 0 : i32
    return %arg0, %c0_i32 : i32, i32
  }
}

module attributes {stable_mosaic.version = 14 : i64} {
  func.func @body(%arg0: i32, %arg1: memref<1xf32, #tpu.memory_space<smem>>, %arg2: memref<1000x128xf32, #tpu.memory_space<vmem>>, %arg3: memref<1000x128xf32, #tpu.memory_space<vmem>>, %arg4: memref<1000x128xf32, #tpu.memory_space<vmem>>, %arg5: memref<1x128xf32, #tpu.memory_space<vmem>>, %arg6: memref<128x128xf32, #tpu.memory_space<vmem>>, %arg7: memref<1x128xf32, #tpu.memory_space<vmem>>, %arg8: memref<128x128xf32, #tpu.memory_space<vmem>>, %arg9: memref<1000x128xf32, #tpu.memory_space<vmem>>) attributes {dimension_semantics = [#tpu.dimension_semantics<arbitrary>], iteration_bounds = array<i64: 5>, scalar_prefetch = 0 : i64, scratch_operands = 0 : i64, tpu.core_type = #tpu.core_type<tc>, window_params = [{transform_indices = @transform_0, window_bounds = array<i64: 1>}, {transform_indices = @transform_1, window_bounds = array<i64: 1000, 128>}, {transform_indices = @transform_2, window_bounds = array<i64: 1000, 128>}, {transform_indices = @transform_3, window_bounds = array<i64: 1000, 128>}, {pipeline_mode = #tpu.pipeline_mode<synchronous>, transform_indices = @transform_4, window_bounds = array<i64: 1, 128>}, {pipeline_mode = #tpu.pipeline_mode<synchronous>, transform_indices = @transform_5, window_bounds = array<i64: 128, 128>}, {pipeline_mode = #tpu.pipeline_mode<synchronous>, transform_indices = @transform_6, window_bounds = array<i64: 1, 128>}, {pipeline_mode = #tpu.pipeline_mode<synchronous>, transform_indices = @transform_7, window_bounds = array<i64: 128, 128>}, {transform_indices = @transform_8, window_bounds = array<i64: 1000, 128>}]} {
    %get3A = arith.constant 0 : index
    %get3A_0 = memref.load %arg1[%get3A] : memref<1xf32, #tpu.memory_space<smem>>
    %get3A_1 = arith.constant 0 : index
    %get3A_2 = arith.constant 0 : index
    %get3A_3 = vector.load %arg2[%get3A_1, %get3A_2] : memref<1000x128xf32, #tpu.memory_space<vmem>>, vector<1000x128xf32>
    %mul3A = vector.broadcast %get3A_0 : f32 to vector<1000x128xf32>
    %mul3A_4 = arith.mulf %mul3A, %get3A_3 : vector<1000x128xf32>
    %get3A_5 = arith.constant 0 : index
    %get3A_6 = arith.constant 0 : index
    %get3A_7 = vector.load %arg3[%get3A_5, %get3A_6] : memref<1000x128xf32, #tpu.memory_space<vmem>>, vector<1000x128xf32>
    %add3A = arith.addf %mul3A_4, %get3A_7 : vector<1000x128xf32>
    %get3A_8 = arith.constant 0 : index
    %get3A_9 = arith.constant 0 : index
    %get3A_10 = vector.load %arg4[%get3A_8, %get3A_9] : memref<1000x128xf32, #tpu.memory_space<vmem>>, vector<1000x128xf32>
    %add3A_11 = arith.addf %add3A, %get3A_10 : vector<1000x128xf32>
    %get3A_12 = arith.constant 0 : index
    %get3A_13 = arith.constant 0 : index
    %get3A_14 = vector.load %arg5[%get3A_12, %get3A_13] : memref<1x128xf32, #tpu.memory_space<vmem>>, vector<1x128xf32>
    %add3A_15 = vector.broadcast %get3A_14 : vector<1x128xf32> to vector<1000x128xf32>
    %add3A_16 = arith.addf %add3A_11, %add3A_15 : vector<1000x128xf32>
    %max3A = arith.constant 0.000000e+00 : f32
    %max3A_17 = vector.broadcast %max3A : f32 to vector<1000x128xf32>
    %max3A_18 = arith.maximumf %add3A_16, %max3A_17 : vector<1000x128xf32>
    %get3A_19 = arith.constant 0 : index
    %get3A_20 = arith.constant 0 : index
    %get3A_21 = vector.load %arg6[%get3A_19, %get3A_20] : memref<128x128xf32, #tpu.memory_space<vmem>>, vector<128x128xf32>
    %dot_general3A = arith.constant dense<0.000000e+00> : vector<1000x128xf32>
    %dot_general3A_22 = tpu.matmul %max3A_18, %get3A_21, %dot_general3A {dimension_numbers = #tpu.dot_dimension_numbers<[1], [0], [0], [1], [0, 0, 1, 1], [], []>, transpose_lhs_hint = false} : vector<1000x128xf32>, vector<128x128xf32>, vector<1000x128xf32> -> vector<1000x128xf32>
    %get3A_23 = arith.constant 0 : index
    %get3A_24 = arith.constant 0 : index
    %get3A_25 = vector.load %arg7[%get3A_23, %get3A_24] : memref<1x128xf32, #tpu.memory_space<vmem>>, vector<1x128xf32>
    %add3A_26 = vector.broadcast %get3A_25 : vector<1x128xf32> to vector<1000x128xf32>
    %add3A_27 = arith.addf %dot_general3A_22, %add3A_26 : vector<1000x128xf32>
    %max3A_28 = arith.constant 0.000000e+00 : f32
    %max3A_29 = vector.broadcast %max3A_28 : f32 to vector<1000x128xf32>
    %max3A_30 = arith.maximumf %add3A_27, %max3A_29 : vector<1000x128xf32>
    %get3A_31 = arith.constant 0 : index
    %get3A_32 = arith.constant 0 : index
    %get3A_33 = vector.load %arg8[%get3A_31, %get3A_32] : memref<128x128xf32, #tpu.memory_space<vmem>>, vector<128x128xf32>
    %dot_general3A_34 = arith.constant dense<0.000000e+00> : vector<1000x128xf32>
    %dot_general3A_35 = tpu.matmul %max3A_30, %get3A_33, %dot_general3A_34 {dimension_numbers = #tpu.dot_dimension_numbers<[1], [0], [0], [1], [0, 0, 1, 1], [], []>, transpose_lhs_hint = false} : vector<1000x128xf32>, vector<128x128xf32>, vector<1000x128xf32> -> vector<1000x128xf32>
    %swap3A = arith.constant 0 : index
    %swap3A_36 = arith.constant 0 : index
    %swap3A_37 = vector.load %arg9[%swap3A, %swap3A_36] : memref<1000x128xf32, #tpu.memory_space<vmem>>, vector<1000x128xf32>
    tpu.vector_store %arg9[%swap3A, %swap3A_36], %dot_general3A_35 {strides = array<i32>} : memref<1000x128xf32, #tpu.memory_space<vmem>>, vector<1000x128xf32>,
    return
  }
  func.func @transform_0(%arg0: i32) -> i32 {
    %c0_i32 = arith.constant 0 : i32
    %c0_i32_0 = arith.constant 0 : i32
    return %c0_i32 : i32
  }
  func.func @transform_1(%arg0: i32) -> (i32, i32) {
    %c0_i32 = arith.constant 0 : i32
    %c0_i32_0 = arith.constant 0 : i32
    return %arg0, %c0_i32 : i32, i32
  }
  func.func @transform_2(%arg0: i32) -> (i32, i32) {
    %c0_i32 = arith.constant 0 : i32
    %c0_i32_0 = arith.constant 0 : i32
    return %arg0, %c0_i32 : i32, i32
  }
  func.func @transform_3(%arg0: i32) -> (i32, i32) {
    %c0_i32 = arith.constant 0 : i32
    %c0_i32_0 = arith.constant 0 : i32
    return %arg0, %c0_i32 : i32, i32
  }
  func.func @transform_4(%arg0: i32) -> (i32, i32) {
    %c0_i32 = arith.constant 0 : i32
    %c0_i32_0 = arith.constant 0 : i32
    %c0_i32_1 = arith.constant 0 : i32
    return %c0_i32, %c0_i32_0 : i32, i32
  }
  func.func @transform_5(%arg0: i32) -> (i32, i32) {
    %c0_i32 = arith.constant 0 : i32
    %c0_i32_0 = arith.constant 0 : i32
    %c0_i32_1 = arith.constant 0 : i32
    return %c0_i32, %c0_i32_0 : i32, i32
  }
  func.func @transform_6(%arg0: i32) -> (i32, i32) {
    %c0_i32 = arith.constant 0 : i32
    %c0_i32_0 = arith.constant 0 : i32
    %c0_i32_1 = arith.constant 0 : i32
    return %c0_i32, %c0_i32_0 : i32, i32
  }
  func.func @transform_7(%arg0: i32) -> (i32, i32) {
    %c0_i32 = arith.constant 0 : i32
    %c0_i32_0 = arith.constant 0 : i32
    %c0_i32_1 = arith.constant 0 : i32
    return %c0_i32, %c0_i32_0 : i32, i32
  }
  func.func @transform_8(%arg0: i32) -> (i32, i32) {
    %c0_i32 = arith.constant 0 : i32
    %c0_i32_0 = arith.constant 0 : i32
    return %arg0, %c0_i32 : i32, i32
  }
}

module attributes {stable_mosaic.version = 14 : i64} {
  func.func @body(%arg0: i32, %arg1: memref<1xf32, #tpu.memory_space<smem>>, %arg2: memref<1000x128xf32, #tpu.memory_space<vmem>>, %arg3: memref<1000x128xf32, #tpu.memory_space<vmem>>, %arg4: memref<1000x128xf32, #tpu.memory_space<vmem>>, %arg5: memref<1x128xf32, #tpu.memory_space<vmem>>, %arg6: memref<128x128xf32, #tpu.memory_space<vmem>>, %arg7: memref<1x128xf32, #tpu.memory_space<vmem>>, %arg8: memref<128x14xf32, #tpu.memory_space<vmem>>, %arg9: memref<1x14xf32, #tpu.memory_space<vmem>>, %arg10: memref<1000x14xf32, #tpu.memory_space<vmem>>) attributes {dimension_semantics = [#tpu.dimension_semantics<arbitrary>], iteration_bounds = array<i64: 5>, scalar_prefetch = 0 : i64, scratch_operands = 0 : i64, tpu.core_type = #tpu.core_type<tc>, window_params = [{transform_indices = @transform_0, window_bounds = array<i64: 1>}, {transform_indices = @transform_1, window_bounds = array<i64: 1000, 128>}, {transform_indices = @transform_2, window_bounds = array<i64: 1000, 128>}, {transform_indices = @transform_3, window_bounds = array<i64: 1000, 128>}, {pipeline_mode = #tpu.pipeline_mode<synchronous>, transform_indices = @transform_4, window_bounds = array<i64: 1, 128>}, {pipeline_mode = #tpu.pipeline_mode<synchronous>, transform_indices = @transform_5, window_bounds = array<i64: 128, 128>}, {pipeline_mode = #tpu.pipeline_mode<synchronous>, transform_indices = @transform_6, window_bounds = array<i64: 1, 128>}, {pipeline_mode = #tpu.pipeline_mode<synchronous>, transform_indices = @transform_7, window_bounds = array<i64: 128, 14>}, {pipeline_mode = #tpu.pipeline_mode<synchronous>, transform_indices = @transform_8, window_bounds = array<i64: 1, 14>}, {transform_indices = @transform_9, window_bounds = array<i64: 1000, 14>}]} {
    %get3A = arith.constant 0 : index
    %get3A_0 = memref.load %arg1[%get3A] : memref<1xf32, #tpu.memory_space<smem>>
    %get3A_1 = arith.constant 0 : index
    %get3A_2 = arith.constant 0 : index
    %get3A_3 = vector.load %arg2[%get3A_1, %get3A_2] : memref<1000x128xf32, #tpu.memory_space<vmem>>, vector<1000x128xf32>
    %mul3A = vector.broadcast %get3A_0 : f32 to vector<1000x128xf32>
    %mul3A_4 = arith.mulf %mul3A, %get3A_3 : vector<1000x128xf32>
    %get3A_5 = arith.constant 0 : index
    %get3A_6 = arith.constant 0 : index
    %get3A_7 = vector.load %arg3[%get3A_5, %get3A_6] : memref<1000x128xf32, #tpu.memory_space<vmem>>, vector<1000x128xf32>
    %add3A = arith.addf %mul3A_4, %get3A_7 : vector<1000x128xf32>
    %get3A_8 = arith.constant 0 : index
    %get3A_9 = arith.constant 0 : index
    %get3A_10 = vector.load %arg4[%get3A_8, %get3A_9] : memref<1000x128xf32, #tpu.memory_space<vmem>>, vector<1000x128xf32>
    %add3A_11 = arith.addf %add3A, %get3A_10 : vector<1000x128xf32>
    %get3A_12 = arith.constant 0 : index
    %get3A_13 = arith.constant 0 : index
    %get3A_14 = vector.load %arg5[%get3A_12, %get3A_13] : memref<1x128xf32, #tpu.memory_space<vmem>>, vector<1x128xf32>
    %add3A_15 = vector.broadcast %get3A_14 : vector<1x128xf32> to vector<1000x128xf32>
    %add3A_16 = arith.addf %add3A_11, %add3A_15 : vector<1000x128xf32>
    %max3A = arith.constant 0.000000e+00 : f32
    %max3A_17 = vector.broadcast %max3A : f32 to vector<1000x128xf32>
    %max3A_18 = arith.maximumf %add3A_16, %max3A_17 : vector<1000x128xf32>
    %get3A_19 = arith.constant 0 : index
    %get3A_20 = arith.constant 0 : index
    %get3A_21 = vector.load %arg6[%get3A_19, %get3A_20] : memref<128x128xf32, #tpu.memory_space<vmem>>, vector<128x128xf32>
    %dot_general3A = arith.constant dense<0.000000e+00> : vector<1000x128xf32>
    %dot_general3A_22 = tpu.matmul %max3A_18, %get3A_21, %dot_general3A {dimension_numbers = #tpu.dot_dimension_numbers<[1], [0], [0], [1], [0, 0, 1, 1], [], []>, transpose_lhs_hint = false} : vector<1000x128xf32>, vector<128x128xf32>, vector<1000x128xf32> -> vector<1000x128xf32>
    %get3A_23 = arith.constant 0 : index
    %get3A_24 = arith.constant 0 : index
    %get3A_25 = vector.load %arg7[%get3A_23, %get3A_24] : memref<1x128xf32, #tpu.memory_space<vmem>>, vector<1x128xf32>
    %add3A_26 = vector.broadcast %get3A_25 : vector<1x128xf32> to vector<1000x128xf32>
    %add3A_27 = arith.addf %dot_general3A_22, %add3A_26 : vector<1000x128xf32>
    %max3A_28 = arith.constant 0.000000e+00 : f32
    %max3A_29 = vector.broadcast %max3A_28 : f32 to vector<1000x128xf32>
    %max3A_30 = arith.maximumf %add3A_27, %max3A_29 : vector<1000x128xf32>
    %get3A_31 = arith.constant 0 : index
    %get3A_32 = arith.constant 0 : index
    %get3A_33 = vector.load %arg8[%get3A_31, %get3A_32] : memref<128x14xf32, #tpu.memory_space<vmem>>, vector<128x14xf32>
    %dot_general3A_34 = arith.constant dense<0.000000e+00> : vector<1000x14xf32>
    %dot_general3A_35 = tpu.matmul %max3A_30, %get3A_33, %dot_general3A_34 {dimension_numbers = #tpu.dot_dimension_numbers<[1], [0], [0], [1], [0, 0, 1, 1], [], []>, transpose_lhs_hint = false} : vector<1000x128xf32>, vector<128x14xf32>, vector<1000x14xf32> -> vector<1000x14xf32>
    %get3A_36 = arith.constant 0 : index
    %get3A_37 = arith.constant 0 : index
    %get3A_38 = vector.load %arg9[%get3A_36, %get3A_37] : memref<1x14xf32, #tpu.memory_space<vmem>>, vector<1x14xf32>
    %add3A_39 = vector.broadcast %get3A_38 : vector<1x14xf32> to vector<1000x14xf32>
    %add3A_40 = arith.addf %dot_general3A_35, %add3A_39 : vector<1000x14xf32>
    %slice3A = vector.extract_strided_slice %add3A_40 {offsets = [0, 0], sizes = [1000, 7], strides = [1, 1]} : vector<1000x14xf32> to vector<1000x7xf32>
    %reduce_max3A = arith.constant dense<0xFF800000> : vector<1000xf32>
    %reduce_max3A_41 = vector.multi_reduction <maximumf>, %slice3A, %reduce_max3A [1] : vector<1000x7xf32> to vector<1000xf32>
    %broadcast_in_dim3A = vector.shape_cast %reduce_max3A_41 : vector<1000xf32> to vector<1000x1xf32>
    %sub3A = vector.broadcast %broadcast_in_dim3A : vector<1000x1xf32> to vector<1000x7xf32>
    %sub3A_42 = arith.subf %slice3A, %sub3A : vector<1000x7xf32>
    %exp3A = math.exp %sub3A_42 : vector<1000x7xf32>
    %reduce_sum3A = arith.constant dense<0.000000e+00> : vector<1000xf32>
    %reduce_sum3A_43 = vector.multi_reduction <add>, %exp3A, %reduce_sum3A [1] : vector<1000x7xf32> to vector<1000xf32>
    %broadcast_in_dim3A_44 = vector.shape_cast %reduce_sum3A_43 : vector<1000xf32> to vector<1000x1xf32>
    %log3A = math.log %broadcast_in_dim3A_44 : vector<1000x1xf32>
    %sub3A_45 = vector.broadcast %log3A : vector<1000x1xf32> to vector<1000x7xf32>
    %sub3A_46 = arith.subf %sub3A_42, %sub3A_45 : vector<1000x7xf32>
    %slice3A_47 = vector.extract_strided_slice %add3A_40 {offsets = [0, 7], sizes = [1000, 7], strides = [1, 1]} : vector<1000x14xf32> to vector<1000x7xf32>
    %reduce_max3A_48 = arith.constant dense<0xFF800000> : vector<1000xf32>
    %reduce_max3A_49 = vector.multi_reduction <maximumf>, %slice3A_47, %reduce_max3A_48 [1] : vector<1000x7xf32> to vector<1000xf32>
    %broadcast_in_dim3A_50 = vector.shape_cast %reduce_max3A_49 : vector<1000xf32> to vector<1000x1xf32>
    %sub3A_51 = vector.broadcast %broadcast_in_dim3A_50 : vector<1000x1xf32> to vector<1000x7xf32>
    %sub3A_52 = arith.subf %slice3A_47, %sub3A_51 : vector<1000x7xf32>
    %exp3A_53 = math.exp %sub3A_52 : vector<1000x7xf32>
    %reduce_sum3A_54 = arith.constant dense<0.000000e+00> : vector<1000xf32>
    %reduce_sum3A_55 = vector.multi_reduction <add>, %exp3A_53, %reduce_sum3A_54 [1] : vector<1000x7xf32> to vector<1000xf32>
    %broadcast_in_dim3A_56 = vector.shape_cast %reduce_sum3A_55 : vector<1000xf32> to vector<1000x1xf32>
    %log3A_57 = math.log %broadcast_in_dim3A_56 : vector<1000x1xf32>
    %sub3A_58 = vector.broadcast %log3A_57 : vector<1000x1xf32> to vector<1000x7xf32>
    %sub3A_59 = arith.subf %sub3A_52, %sub3A_58 : vector<1000x7xf32>
    %concatenate3A = tpu.concatenate %sub3A_46, %sub3A_59 in 1 : vector<1000x7xf32>, vector<1000x7xf32> -> vector<1000x14xf32>
    %swap3A = arith.constant 0 : index
    %swap3A_60 = arith.constant 0 : index
    %swap3A_61 = vector.load %arg10[%swap3A, %swap3A_60] : memref<1000x14xf32, #tpu.memory_space<vmem>>, vector<1000x14xf32>
    tpu.vector_store %arg10[%swap3A, %swap3A_60], %concatenate3A {strides = array<i32>} : memref<1000x14xf32, #tpu.memory_space<vmem>>, vector<1000x14xf32>,
    return
  }
  func.func @transform_0(%arg0: i32) -> i32 {
    %c0_i32 = arith.constant 0 : i32
    %c0_i32_0 = arith.constant 0 : i32
    return %c0_i32 : i32
  }
  func.func @transform_1(%arg0: i32) -> (i32, i32) {
    %c0_i32 = arith.constant 0 : i32
    %c0_i32_0 = arith.constant 0 : i32
    return %arg0, %c0_i32 : i32, i32
  }
  func.func @transform_2(%arg0: i32) -> (i32, i32) {
    %c0_i32 = arith.constant 0 : i32
    %c0_i32_0 = arith.constant 0 : i32
    return %arg0, %c0_i32 : i32, i32
  }
  func.func @transform_3(%arg0: i32) -> (i32, i32) {
    %c0_i32 = arith.constant 0 : i32
    %c0_i32_0 = arith.constant 0 : i32
    return %arg0, %c0_i32 : i32, i32
  }
  func.func @transform_4(%arg0: i32) -> (i32, i32) {
    %c0_i32 = arith.constant 0 : i32
    %c0_i32_0 = arith.constant 0 : i32
    %c0_i32_1 = arith.constant 0 : i32
    return %c0_i32, %c0_i32_0 : i32, i32
  }
  func.func @transform_5(%arg0: i32) -> (i32, i32) {
    %c0_i32 = arith.constant 0 : i32
    %c0_i32_0 = arith.constant 0 : i32
    %c0_i32_1 = arith.constant 0 : i32
    return %c0_i32, %c0_i32_0 : i32, i32
  }
  func.func @transform_6(%arg0: i32) -> (i32, i32) {
    %c0_i32 = arith.constant 0 : i32
    %c0_i32_0 = arith.constant 0 : i32
    %c0_i32_1 = arith.constant 0 : i32
    return %c0_i32, %c0_i32_0 : i32, i32
  }
  func.func @transform_7(%arg0: i32) -> (i32, i32) {
    %c0_i32 = arith.constant 0 : i32
    %c0_i32_0 = arith.constant 0 : i32
    %c0_i32_1 = arith.constant 0 : i32
    return %c0_i32, %c0_i32_0 : i32, i32
  }
  func.func @transform_8(%arg0: i32) -> (i32, i32) {
    %c0_i32 = arith.constant 0 : i32
    %c0_i32_0 = arith.constant 0 : i32
    %c0_i32_1 = arith.constant 0 : i32
    return %c0_i32, %c0_i32_0 : i32, i32
  }
  func.func @transform_9(%arg0: i32) -> (i32, i32) {
    %c0_i32 = arith.constant 0 : i32
    %c0_i32_0 = arith.constant 0 : i32
    return %arg0, %c0_i32 : i32, i32
  }
}

</mosaic_0001>

<sc_bundles>
// kernel: kernel.10.cloned.1.call-start
scs
__scs_entry_jumppad:
0x0: {  	(pc) =	sbr.rel $0x88, $3  }
0x1: {  	(tag) =	ssettag $0x0;
	lr =	simm.s32 $0x1  }
0x2: {  	[smem:$0x3F8F] =	sst lr;
	_ =	strace $0xD0000000  }
0x3: {  	_ = 	snop  }
0x4: {  	_ = 	snop  }
0x5: {  	_ = 	snop  }
0x6: {  	_ = 	snop  }
0x7: {  	_ = 	snop  }
__scs_overlays_trampoline_lowered:
0x8: {  	[smem:$0x3F9E] =	sst s0  }
0x9: {  	[smem:$0x3F9F] =	sst s1  }
0xa: {  	[smem:$0x3FA0] =	sst s2  }
0xb: {  	[smem:$0x3FA1] =	sst s3  }
0xc: {  	[smem:$0x3FA2] =	sst s4  }
0xd: {  	[smem:$0x3FA3] =	sst s5  }
0xe: {  	[smem:$0x3FA4] =	sst s6  }
0xf: {  	[smem:$0x3FA5] =	sst s7  }
0x10: {  	[smem:$0x3FA6] =	sst s8  }
0x11: {  	[smem:$0x3FA7] =	sst s9;
	s0 =	simm.s32 @!p0 $0x0  }
0x12: {  	s1 =	sld [smem:$0x3F8D];
	s0 =	simm.s32 @p0 $0x1  }
0x13: {  	[smem:$0x3FA8] =	sst s0;
	s0 =	simm.s32 @!p1 $0x0  }
0x14: {  	s2 =	sld [smem:$0x3F8C];
	s0 =	simm.s32 @p1 $0x1  }
0x15: {  	[smem:$0x3FA9] =	sst s0;
	s0 =	simm.s32 @!p2 $0x0  }
0x16: {  	s3 =	sld [smem:$0x3FDB];
	s0 =	simm.s32 @p2 $0x1  }
0x17: {  	s4 =	simm.s32 $0x1BF5;
	[smem:$0x3FAB] =	sst s0  }
0x18: {  	s0 =	sld [smem:$0x3F8E];
	_ =	swait.ge [sflag:s4], $0x0  }
0x19: {  	s7 =	sld [smem:$0x3F8F]  }
0x1a: {  	s8 =	sadd.s32 $0xFFFFE003, lr  }
0x1b: {  	s9 =	sadd.s32 $0xFFFFFEF7, lr;
	s5 =	simm.s32 $0xFFFFFFFF;
	p2 =	slt.u32 s8, $0xFFFFF086  }
0x1c: {  	p1 =	slt.u32 s9, $0xF7A;
	s5 =	simm.s32 @!p2 $0x0  }
0x1d: {  	s5 =	simm.s32 @p1 $0x1;
	p0 =	seq.s32 s7, s2  }
0x1e: {  	s7 =	smul.u32 @!p0 $0xF7A, s2;
	p2 =	seq.s32 @!p0 s5, $0x0  }
0x1f: {  	s9 =	smul.u32 $0xF7A, s1;
	s8 =	simm.s32 @!p0 $0x1BF5;
	p2 =	por !p2, p0  }
0x20: {  	[sflag:s8] =	ssyncset.s32 @!p0 $0xFFFFF086;
	s6 =	sadd.s32 @!p0 s3, s7;
	s7 =	simm.s32 @!p0 $0x108  }
0x21: {  	s3 =	sadd.s32 s3, s9;
	s6 =	sadd.s32 @!p0 $0x88, s6;
	s7 =	simm.s32 @p2 $0x1082  }
0x22: {  	[simem:s7], [sflag:s8] =	dma.local @!p0 [hbm:s6], $0xF7A  }
0x23: {  	s9 =	sor.u32 $0xD0000000, s2;
	s6 =	simm.s32 $0x108;
	_ =	swait.ge @!p0 [sflag:s8], $0x0  }
0x24: {  	s3 =	sadd.s32 $0x88, s3;
	s6 =	simm.s32 @!p1 $0x1082;
	[sflag:s4] =	ssyncset.s32 $0xFFFFF086  }
0x25: {  	[simem:s6], [sflag:s4] =	dma.local [hbm:s3], $0xF7A  }
0x26: {  	[smem:$0x3F8F] =	sst s1;
	(tag) =	ssettag s2;
	_ =	strace s9  }
0x27: {  	s1 =	sld [smem:$0x3F9F]  }
0x28: {  	s2 =	sld [smem:$0x3FA0]  }
0x29: {  	s4 =	sld [smem:$0x3FA2]  }
0x2a: {  	p0 =	seq.s32 s5, $0x0;
	s5 =	sld [smem:$0x3FA3]  }
0x2b: {  	s6 =	sld [smem:$0x3FA4]  }
0x2c: {  	s7 =	sld [smem:$0x3FA5]  }
0x2d: {  	s3 =	simm.s32 $0x108;
	s8 =	sld [smem:$0x3FA6]  }
0x2e: {  	s3 =	simm.s32 @!p0 $0x1082;
	s9 =	sld [smem:$0x3FA7]  }
0x2f: {  	lr =	sadd.s32 s0, s3;
	s0 =	sld [smem:$0x3F9E]  }
0x30: {  	s3 =	sld [smem:$0x3FA1]  }
0x31: {  	[smem:$0x3FAA] =	sst s10  }
0x32: {  	s10 =	sld [smem:$0x3FA8];
	_ =	sdelay $0x3  }
0x33: {  	p0 =	seq.s32 s10, $0x1;
	s10 =	sld [smem:$0x3FAA];
	_ =	sdelay $0x3  }
0x34: {  	[smem:$0x3FAA] =	sst s10  }
0x35: {  	s10 =	sld [smem:$0x3FA9];
	_ =	sdelay $0x3  }
0x36: {  	p1 =	seq.s32 s10, $0x1;
	s10 =	sld [smem:$0x3FAA];
	_ =	sdelay $0x3  }
0x37: {  	[smem:$0x3FAA] =	sst s10  }
0x38: {  	s10 =	sld [smem:$0x3FAB]  }
0x39: {  	_ = 	snop;
	(pc) =	sbr.ind lr, $3  }
0x3a: {  	_ = 	snop  }
0x3b: {  	_ = 	snop  }
0x3c: {  	p2 =	seq.s32 s10, $0x1;
	s10 =	sld [smem:$0x3FAA]  }
0x3d: {  	_ =	shalt  }
0x3e: {  	_ =	shalt  }
0x3f: {  	_ =	shalt  }
0x40: {  	_ =	shalt  }
0x41: {  	_ =	shalt  }
0x42: {  	_ =	shalt  }
0x43: {  	_ =	shalt  }
0x44: {  	_ =	shalt  }
0x45: {  	_ =	shalt  }
0x46: {  	_ =	shalt  }
0x47: {  	_ =	shalt  }
0x48: {  	_ =	shalt  }
0x49: {  	_ =	shalt  }
0x4a: {  	_ =	shalt  }
0x4b: {  	_ =	shalt  }
0x4c: {  	_ =	shalt  }
0x4d: {  	_ =	shalt  }
0x4e: {  	_ =	shalt  }
0x4f: {  	_ =	shalt  }
0x50: {  	_ =	shalt  }
0x51: {  	_ =	shalt  }
0x52: {  	_ =	shalt  }
0x53: {  	_ =	shalt  }
0x54: {  	_ =	shalt  }
0x55: {  	_ =	shalt  }
0x56: {  	_ =	shalt  }
0x57: {  	_ =	shalt  }
0x58: {  	_ =	shalt  }
0x59: {  	_ =	shalt  }
0x5a: {  	_ =	shalt  }
0x5b: {  	_ =	shalt  }
0x5c: {  	_ =	shalt  }
0x5d: {  	_ =	shalt  }
0x5e: {  	_ =	shalt  }
0x5f: {  	_ =	shalt  }
0x60: {  	_ =	shalt  }
0x61: {  	_ =	shalt  }
0x62: {  	_ =	shalt  }
0x63: {  	_ =	shalt  }
0x64: {  	_ =	shalt  }
0x65: {  	_ =	shalt  }
0x66: {  	_ =	shalt  }
0x67: {  	_ =	shalt  }
0x68: {  	_ =	shalt  }
0x69: {  	_ =	shalt  }
0x6a: {  	_ =	shalt  }
0x6b: {  	_ =	shalt  }
0x6c: {  	_ =	shalt  }
0x6d: {  	_ =	shalt  }
0x6e: {  	_ =	shalt  }
0x6f: {  	_ =	shalt  }
0x70: {  	_ =	shalt  }
0x71: {  	_ =	shalt  }
0x72: {  	_ =	shalt  }
0x73: {  	_ =	shalt  }
0x74: {  	_ =	shalt  }
0x75: {  	_ =	shalt  }
0x76: {  	_ =	shalt  }
0x77: {  	_ =	shalt  }
0x78: {  	_ =	shalt  }
0x79: {  	_ =	shalt  }
0x7a: {  	_ =	shalt  }
0x7b: {  	_ =	shalt  }
0x7c: {  	_ =	shalt  }
0x7d: {  	_ =	shalt  }
0x7e: {  	_ =	shalt  }
0x7f: {  	_ =	shalt  }
0x80: {  	_ =	shalt  }
0x81: {  	_ =	shalt  }
0x82: {  	_ =	shalt  }
0x83: {  	_ =	shalt  }
0x84: {  	_ =	shalt  }
0x85: {  	_ =	shalt  }
0x86: {  	_ =	shalt  }
0x87: {  	_ =	shalt  }
.Lfunc_end0:
.L_simem_size_0:
called_computation.1_lowered:
.L_overlay_start_0:
0x88: {  	s2 =	sld [smem:$0x3FD9]  }
0x89: {  	s3 =	sld [smem:$0x3FFE];
	_ =	sdelay $0x1  }
0x8a: {  	s1 =	srdreg.scid  }
0x8b: {  	s0 =	sand.u32 $0x1, s1  }
0x8c: {  	s17 =	sshll.u32 s0, $0xA;
	s2 =	sadd.s32 s3, s2  }
0x8d: {  	s2 =	sadd.s32 s2, s17  }
0x8e: {  	[smem:$0x3FB6] =	sst s2  }
0x8f: {  	_ = 	snop  }
0x90: {  	s2 =	sld [smem:$0x3FD0];
	(tm) =	ssettm $0x1  }
0x91: {  	s18 =	sld [smem:$0x3FFB];
	_ =	sdelay $0x3  }
0x92: {  	_ =	strace s18  }
0x93: {  	s3 =	sld [smem:$0x3FFC];
	_ =	sdelay $0x3  }
0x94: {  	_ =	strace s3  }
0x95: {  	s3 =	sld [smem:$0x3FFD];
	_ =	sdelay $0x3  }
0x96: {  	_ =	strace s3  }
0x97: {  	_ =	strace $0x8FFFFFFF  }
0x98: {  	s19 =	sld [smem:$0x3FDB];
	_ =	sdelay $0x1  }
0x99: {  	s4 =	simm.s32 $_scs_section_size  }
0x9a: {  	s5 =	simm.s32 $_size__tile_overlayer_lowered;
	s6 =	simm.s32 $_tile_overlayer_lowered  }
0x9b: {  	s22 =	simm.s32 $0x1BFF;
	s21 =	sshll.u32 s6, $0x1;
	s3 =	sadd.s32 s4, s19  }
0x9c: {  	s7 =	simm.s32 $0x0;
	s20 =	sshll.u32 s5, $0x1;
	s5 =	sadd.s32 s21, s3  }
0x9d: {  	[timem:s7], [sflag:s22] =	dma.local [hbm:s5], s20  }
0x9e: {  	_ =	swait.ge [sflag:s22], s20  }
0x9f: {  	s4 =	ssub.s32 $0x0, s20;
	[sflag:s22] =	ssyncset.done $0x0  }
0xa0: {  	[sflag:s22] =	ssyncadd.s32 s4;
	_ =	sdelay $0x1  }
0xa1: {  	s23 =	simm.s32 $0x1B8B  }
0xa2: {  	_ =	swait.ge [sflag:s23], $0x1  }
0xa3: {  	[sflag:s23] =	ssyncset.done $0x0  }
0xa4: {  	s25 =	simm.s32 $0x1B8E;
	s24 =	sld [smem:$0x3FFE];
	[sflag:s23] =	ssyncadd.s32 $0xFFFFFFFF  }
0xa5: {  	s26 =	simm.s32 $execute0_lowered;
	[smem:$0x3FD2] =	sst s25  }
0xa6: {  	s5 =	sshll.u32 s26, $0x1;
	_ =	strace $0x80000049;
	[dreg:$0x1] =	wrdreg $0xFFFFFFFF  }
0xa7: {  	s28 =	simm.s32 $_size_execute0_lowered;
	s3 =	sadd.s32 s3, s5;
	[dreg:$0x0] =	wrdreg $0x0  }
0xa8: {  	s5 =	sshll.u32 s28, $0x1;
	[dreg:$0x2] =	wrdreg s3  }
0xa9: {  	[dreg:$0x3] =	wrdreg s5  }
0xaa: {  	[dreg:$0x4] =	wrdreg $0xC0  }
0xab: {  	_ =	task [dreg:s7], $0x5FFFF  }
0xac: {  	[dreg:$0x1] =	wrdreg $0xFFFFFFFF  }
0xad: {  	[dreg:$0x0] =	wrdreg $0x60  }
0xae: {  	[dreg:$0x2] =	wrdreg s24  }
0xaf: {  	[dreg:$0x3] =	wrdreg s2  }
0xb0: {  	[dreg:$0x4] =	wrdreg $0x108000  }
0xb1: {  	[dreg:$0x5] =	wrdreg $0x9  }
0xb2: {  	_ =	task.clear_ibuf [dreg:s7], $0x6FFFF;
	_ =	strace $0x90000049  }
0xb3: {  	s29 =	simm.s32 $0x9;
	_ =	strace $0x8000004B  }
0xb4: {  	_ =	swait.ge [sflag:s29], $0x1  }
0xb5: {  	[sflag:s29] =	ssyncadd.s32 $0xFFFFFFFF  }
0xb6: {  	_ =	strace $0x9000004B  }
0xb7: {  	_ =	sfence  }
0xb8: {  	s30 =	sld [smem:$0x0];
	_ =	sdelay $0x2  }
0xb9: {  	s31 =	sshll.u32 s1, $0xD;
	s1 =	sshrl.u32 s1, $0x2  }
0xba: {  	s3 =	sand.u32 $0x4000, s31;
	s1 =	sadd.s32 s1, s30  }
0xbb: {  	s0 =	sor.u32 s3, s0;
	s1 =	sshll.u32 s1, $0x11  }
0xbc: {  	s0 =	sor.u32 s1, s0  }
0xbd: {  	s0 =	sadd.s32 $0x8F2B, s0  }
0xbe: {  	[sflag:s0] =	ssyncadd.remote.s32 $0x1  }
0xbf: {  	_ =	sfence.sel $0xFFFF  }
0xc0: {  	[dreg:$0x0] =	wrdreg $0xFFFFFFFF;
	(pc) =	sbr.abs _section_cstart, $3  }
0xc1: {  	[dreg:$0x1] =	wrdreg $0xFFFFFFFF  }
0xc2: {  	_ =	task.clear_ibuf [dreg:s7], $0x2FFFF;
	_ =	strace $0x9FFFFFFF  }
0xc3: {  	(tm) =	ssettm $0x7FFFFFFF  }
tec
execute0_lowered:
.L_overlay_start_1:
0x0: {  	(tag) =	ssettag $0x1  }
0x1: {  	s6 =	rddreg [dreg:$0x0]  }
0x2: {  	s2 =	rddreg [dreg:$0x1];
	s1 =	srdreg.scid  }
0x3: {  	s0 =	stileid.u32;
	s3 =	rddreg [dreg:$0x2];
	s4 =	simm.s32 $0x0  }
0x4: {  	s13 =	simm.s32 $0x400;
	s14 =	simm.s32 $0x200;
	s15 =	simm.s32 $0x800  }
0x5: {  	s16 =	simm.s32 $0x600;
	s17 =	simm.s32 $0x8800;
	s5 =	smul.u32 $0x5000, s0  }
0x6: {  	s18 =	simm.s32 $0x1;
	s19 =	simm.s32 $0x2;
	s9 =	smul.u32 $0x13C0, s0  }
0x7: {  	s7 =	sand.u32 $0x1, s1;
	s1 =	rddreg [dreg:$0x3];
	s11 =	smul.u32 $0x27800, s0  }
0x8: {  	s20 =	simm.s32 $0x0;
	[smem:$0x7FF] =	sst s4;
	s8 =	smul.u32 $0x2800, s7  }
0x9: {  	s31 =	sshll.u32 s0, $0x6;
	s10 =	smul.u32 $0x13C00, s7;
	s7 =	ssub.s32 $0x2, s7  }
0xa: {  	_ =	strace $0x8000004A;
	s28 =	sshrl.u32 s7, $0x1;
	s29 =	sshrl.u32 s11, $0x2  }
0xb: {  	s8 =	sadd.s32 s8, s5;
	s5 =	sadd.s32 $0x3400, s6;
	s26 =	sadd.s32 s9, s10  }
0xc: {  	s30 =	ssub.s32 s7, s28;
	s11 =	sadd.s32 s29, s3;
	s8 =	sshrl.u32 s8, $0x3  }
0xd: {  	s11 =	sshrl.u32 s11, $0x3;
	s12 =	sadd.s32 s8, s6;
	s8 =	sadd.s32 s26, s6  }
0xe: {  	s6 =	sor.u32 $0x1C03, s31;
	s7 =	sadd.s32 $0x2AE00, s8;
	s8 =	smax.u32 s30, $0x1  }
0xf: {  	s9 =	sadd.s32 $0x16E00, s12;
	s10 =	sadd.s32 $0x20E00, s12;
	s12 =	simm.s32 $0x3  }
.LBB2_1:
0x10: {  	[spmem:s11], [sflag:s6] =	dma.local [hbm:s2], $0x13C0  }
0x11: {  	_ =	swait.ge [sflag:s12], $0x13C0  }
0x12: {  	[sflag:s12] =	ssyncset.done $0x0  }
0x13: {  	[sflag:s12] =	ssyncadd.s32 $0xFFFFEC40  }
0x14: {  	s21 =	sadd.s32 $0x0, s9;
	[bflag:$0x0] =	sbarrier.arrive $0xFFFF  }
0x15: {  	[tilespmem:s4], [sflag:$0x3] =	stream.linear.gather [hbm4b:s21+s4], $0x200, $0x38;
	[tilespmem:$0x1A600] =	vst v63  }
0x16: {  	_ =	swait.ge [sflag:s12], $0x200  }
0x17: {  	[sflag:s12] =	ssyncset.done $0x0  }
0x18: {  	s22 =	sadd.s32 $0x0, s10;
	[sflag:s12] =	ssyncadd.s32 $0xFFFFFE00  }
0x19: {  	[tilespmem:s13], [sflag:$0x3] =	stream.linear.gather [hbm4b:s22+s4], $0x200, $0x38;
	[tilespmem:$0x1A600] =	vst v63  }
0x1a: {  	_ =	swait.ge [sflag:s12], $0x200  }
0x1b: {  	[sflag:s12] =	ssyncset.done $0x0  }
0x1c: {  	[sflag:s12] =	ssyncadd.s32 $0xFFFFFE00  }
0x1d: {  	[tilespmem:s15], [sflag:$0x1] =	stream.indirect.gather [hbm4b:s5+s14], $0x40, s4, s14, $0xb8;
	[tilespmem:$0x1A600] =	vst v63  }
0x1e: {  	s21 =	sadd.s32 $0x40, s21  }
0x1f: {  	[tilespmem:s14], [sflag:$0x3] =	stream.linear.gather [hbm4b:s21+s4], $0x200, $0x38;
	[tilespmem:$0x1A600] =	vst v63  }
0x20: {  	_ =	swait.ge [sflag:s12], $0x200  }
0x21: {  	[sflag:s12] =	ssyncset.done $0x0  }
0x22: {  	s31 =	sadd.s32 $0x40, s22;
	[sflag:s12] =	ssyncadd.s32 $0xFFFFFE00  }
0x23: {  	[tilespmem:s16], [sflag:$0x3] =	stream.linear.gather [hbm4b:s31+s4], $0x200, $0x38;
	[tilespmem:$0x1A600] =	vst v63  }
0x24: {  	_ =	swait.ge [sflag:s12], $0x200  }
0x25: {  	[sflag:s12] =	ssyncset.done $0x0  }
0x26: {  	[sflag:s12] =	ssyncadd.s32 $0xFFFFFE00  }
0x27: {  	[tilespmem:s17], [sflag:$0x2] =	stream.indirect.gather [hbm4b:s5+s14], $0x40, s14, s14, $0xb8;
	[tilespmem:$0x1A600] =	vst v63  }
0x28: {  	_ =	swait.ge [sflag:s18], $0x8000  }
0x29: {  	[sflag:s18] =	ssyncset.done $0x0  }
0x2a: {  	[sflag:s18] =	ssyncadd.s32 $0xFFFF8000  }
0x2b: {  	[spmem:s3] =	stream.indirect.scatter.add.f32 [tilespmem:s15], [sflag:$0x3], $0x40, s13, s14, $0xb8;
	[tilespmem:$0x1A600] =	vst v63  }
0x2c: {  	_ =	swait.ge [sflag:s12], $0x8000  }
0x2d: {  	[sflag:s12] =	ssyncset.done $0x0  }
0x2e: {  	[sflag:s12] =	ssyncadd.s32 $0xFFFF8000  }
0x2f: {  	_ =	swait.ge [sflag:s19], $0x8000  }
0x30: {  	[sflag:s19] =	ssyncset.done $0x0  }
0x31: {  	[sflag:s19] =	ssyncadd.s32 $0xFFFF8000  }
0x32: {  	[spmem:s3] =	stream.indirect.scatter.add.f32 [tilespmem:s17], [sflag:$0x3], $0x40, s16, s14, $0xb8;
	[tilespmem:$0x1A600] =	vst v63  }
0x33: {  	_ =	swait.ge [sflag:s12], $0x8000  }
0x34: {  	s23 =	simm.s32 $0x100;
	s21 =	simm.s32 $0x80;
	[sflag:s12] =	ssyncset.done $0x0  }
.LBB2_2:
0x35: {  	s24 =	sadd.s32 s21, s9  }
0x36: {  	[sflag:s12] =	ssyncadd.s32 $0xFFFF8000;
	s25 =	smov.u32 s23;
	s22 =	sadd.s32 $0x80, s23  }
0x37: {  	[tilespmem:s4], [sflag:$0x3] =	stream.linear.gather [hbm4b:s24+s4], $0x200, $0x38;
	[tilespmem:$0x1A600] =	vst v63  }
0x38: {  	p0 =	sne.s32 s23, $0x480;
	_ =	swait.ge [sflag:s12], $0x200  }
0x39: {  	[sflag:s12] =	ssyncset.done $0x0  }
0x3a: {  	s23 =	sadd.s32 s21, s10;
	s21 =	smov.u32 s25;
	[sflag:s12] =	ssyncadd.s32 $0xFFFFFE00  }
0x3b: {  	[tilespmem:s13], [sflag:$0x3] =	stream.linear.gather [hbm4b:s23+s4], $0x200, $0x38;
	[tilespmem:$0x1A600] =	vst v63  }
0x3c: {  	_ =	swait.ge [sflag:s12], $0x200  }
0x3d: {  	[sflag:s12] =	ssyncset.done $0x0  }
0x3e: {  	[sflag:s12] =	ssyncadd.s32 $0xFFFFFE00  }
0x3f: {  	[tilespmem:s15], [sflag:$0x1] =	stream.indirect.gather [hbm4b:s5+s14], $0x40, s4, s14, $0xb8;
	[tilespmem:$0x1A600] =	vst v63  }
0x40: {  	s24 =	sadd.s32 $0x40, s24  }
0x41: {  	[tilespmem:s14], [sflag:$0x3] =	stream.linear.gather [hbm4b:s24+s4], $0x200, $0x38;
	[tilespmem:$0x1A600] =	vst v63  }
0x42: {  	_ =	swait.ge [sflag:s12], $0x200  }
0x43: {  	[sflag:s12] =	ssyncset.done $0x0  }
0x44: {  	s23 =	sadd.s32 $0x40, s23;
	[sflag:s12] =	ssyncadd.s32 $0xFFFFFE00  }
0x45: {  	[tilespmem:s16], [sflag:$0x3] =	stream.linear.gather [hbm4b:s23+s4], $0x200, $0x38;
	[tilespmem:$0x1A600] =	vst v63  }
0x46: {  	_ =	swait.ge [sflag:s12], $0x200  }
0x47: {  	[sflag:s12] =	ssyncset.done $0x0  }
0x48: {  	[sflag:s12] =	ssyncadd.s32 $0xFFFFFE00  }
0x49: {  	[tilespmem:s17], [sflag:$0x2] =	stream.indirect.gather [hbm4b:s5+s14], $0x40, s14, s14, $0xb8;
	[tilespmem:$0x1A600] =	vst v63  }
0x4a: {  	_ =	swait.ge [sflag:s18], $0x8000  }
0x4b: {  	[sflag:s18] =	ssyncset.done $0x0  }
0x4c: {  	[sflag:s18] =	ssyncadd.s32 $0xFFFF8000  }
0x4d: {  	[spmem:s3] =	stream.indirect.scatter.add.f32 [tilespmem:s15], [sflag:$0x3], $0x40, s13, s14, $0xb8;
	[tilespmem:$0x1A600] =	vst v63  }
0x4e: {  	_ =	swait.ge [sflag:s12], $0x8000  }
0x4f: {  	[sflag:s12] =	ssyncset.done $0x0  }
0x50: {  	[sflag:s12] =	ssyncadd.s32 $0xFFFF8000  }
0x51: {  	_ =	swait.ge [sflag:s19], $0x8000  }
.Ltmp0:
0x52: {  	[sflag:s19] =	ssyncset.done $0x0;
	(pc) =	sbr.rel @p0 .LBB2_2-.Ltmp0, $4  }
0x53: {  	[sflag:s19] =	ssyncadd.s32 $0xFFFF8000  }
0x54: {  	[spmem:s3] =	stream.indirect.scatter.add.f32 [tilespmem:s17], [sflag:$0x3], $0x40, s16, s14, $0xb8;
	[tilespmem:$0x1A600] =	vst v63  }
0x55: {  	_ =	swait.ge [sflag:s12], $0x8000  }
0x56: {  	s23 =	smov.u32 s22;
	[sflag:s12] =	ssyncset.done $0x0  }
0x57: {  	s22 =	sadd.s32 s21, s9;
	[sflag:s12] =	ssyncadd.s32 $0xFFFF8000  }
0x58: {  	[tilespmem:s4], [sflag:$0x3] =	stream.linear.gather [hbm4b:s22+s4], $0x200, $0x38;
	[tilespmem:$0x1A600] =	vst v63  }
0x59: {  	_ =	swait.ge [sflag:s12], $0x200  }
0x5a: {  	[sflag:s12] =	ssyncset.done $0x0  }
0x5b: {  	s31 =	sadd.s32 s21, s10;
	[sflag:s12] =	ssyncadd.s32 $0xFFFFFE00  }
0x5c: {  	[tilespmem:s13], [sflag:$0x3] =	stream.linear.gather [hbm4b:s31+s4], $0x200, $0x38;
	[tilespmem:$0x1A600] =	vst v63  }
0x5d: {  	_ =	swait.ge [sflag:s12], $0x200  }
0x5e: {  	[sflag:s12] =	ssyncset.done $0x0  }
0x5f: {  	[sflag:s12] =	ssyncadd.s32 $0xFFFFFE00  }
0x60: {  	[tilespmem:s15], [sflag:$0x1] =	stream.indirect.gather [hbm4b:s5+s14], $0x40, s4, s14, $0xb8;
	[tilespmem:$0x1A600] =	vst v63  }
0x61: {  	s22 =	sadd.s32 $0x40, s22  }
0x62: {  	[tilespmem:s14], [sflag:$0x3] =	stream.linear.gather [hbm4b:s22+s4], $0x200, $0x38;
	[tilespmem:$0x1A600] =	vst v63  }
0x63: {  	_ =	swait.ge [sflag:s12], $0x200  }
0x64: {  	[sflag:s12] =	ssyncset.done $0x0  }
0x65: {  	s21 =	sadd.s32 $0x40, s31;
	[sflag:s12] =	ssyncadd.s32 $0xFFFFFE00  }
0x66: {  	[tilespmem:s16], [sflag:$0x3] =	stream.linear.gather [hbm4b:s21+s4], $0x200, $0x38;
	[tilespmem:$0x1A600] =	vst v63  }
0x67: {  	_ =	swait.ge [sflag:s12], $0x200  }
0x68: {  	[sflag:s12] =	ssyncset.done $0x0  }
0x69: {  	[sflag:s12] =	ssyncadd.s32 $0xFFFFFE00  }
0x6a: {  	[tilespmem:s17], [sflag:$0x2] =	stream.indirect.gather [hbm4b:s5+s14], $0x40, s14, s14, $0xb8;
	[tilespmem:$0x1A600] =	vst v63  }
0x6b: {  	_ =	swait.ge [sflag:s18], $0x8000  }
0x6c: {  	[sflag:s18] =	ssyncset.done $0x0  }
0x6d: {  	[sflag:s18] =	ssyncadd.s32 $0xFFFF8000  }
0x6e: {  	[spmem:s3] =	stream.indirect.scatter.add.f32 [tilespmem:s15], [sflag:$0x3], $0x40, s13, s14, $0xb8;
	[tilespmem:$0x1A600] =	vst v63  }
0x6f: {  	_ =	swait.ge [sflag:s12], $0x8000  }
0x70: {  	[sflag:s12] =	ssyncset.done $0x0  }
0x71: {  	[sflag:s12] =	ssyncadd.s32 $0xFFFF8000  }
0x72: {  	_ =	swait.ge [sflag:s19], $0x8000  }
0x73: {  	[sflag:s19] =	ssyncset.done $0x0  }
0x74: {  	[sflag:s19] =	ssyncadd.s32 $0xFFFF8000  }
0x75: {  	[spmem:s3] =	stream.indirect.scatter.add.f32 [tilespmem:s17], [sflag:$0x3], $0x40, s16, s14, $0xb8;
	[tilespmem:$0x1A600] =	vst v63  }
0x76: {  	_ =	swait.ge [sflag:s12], $0x8000  }
0x77: {  	s20 =	sadd.s32 $0x1, s20;
	[sflag:s12] =	ssyncset.done $0x0  }
0x78: {  	p0 =	sne.s32 s20, s8;
	[sflag:s12] =	ssyncadd.s32 $0xFFFF8000  }
.Ltmp1:
0x79: {  	[bflag:$0x0] =	sbarrier.arrive $0xFFFF;
	(pc) =	sbr.rel @p0 .LBB2_1-.Ltmp1, $4  }
0x7a: {  	[hbm:s7], [sflag:s6] =	dma.local [spmem:s11], $0x13C0  }
0x7b: {  	_ =	swait.ge [sflag:s12], $0x13C0  }
0x7c: {  	[sflag:s12] =	ssyncset.done $0x0  }
0x7d: {  	[sflag:s12] =	ssyncadd.s32 $0xFFFFEC40  }
0x7e: {  	_ =	sfence.sel $0x180000  }
0x7f: {  	[bflag:$0x0] =	sbarrier.arrive $0xFFFF  }
0x80: {  	p0 =	sne.s32 s0, $0x0;
	_ =	strace $0x9000004A  }
0x81: {  	s0 =	sadd.s32 @!p0 $0x100000, s1;
	[bflag:$0x2] =	sbarrier.arrive $0xFFFF  }
0x82: {  	[sflag:s0] =	ssyncadd.tile.s32 @!p0 $0x1;
	_ =	shalt  }
.Lfunc_end2:
_tile_overlayer_lowered:
.L_overlay_start_2:
0x83: {  	(tag) =	ssettag $0x2  }
0x84: {  	s0 =	rddreg [dreg:$0x0];
	s2 =	stileid.u32  }
0x85: {  	s1 =	rddreg [dreg:$0x1];
	p0 =	sne.s32 s2, $0x0  }
0x86: {  	s3 =	rddreg [dreg:$0x2];
	[bflag:$0x3] =	sbarrier.arrive $0xFFFF;
	s2 =	simm.s32 @!p0 $0x1C03  }
0x87: {  	[timem:s3], [sflag:s2] =	dma.local @!p0 [hbm:s0], s1  }
0x88: {  	s0 =	simm.s32 @!p0 $0x3  }
0x89: {  	_ =	swait.ge @!p0 [sflag:s0], s1  }
0x8a: {  	s1 =	ssub.s32 @!p0 $0x0, s1;
	[sflag:s0] =	ssyncset.done @!p0 $0x0  }
0x8b: {  	[sflag:s0] =	ssyncadd.s32 @!p0 s1  }
0x8c: {  	[bflag:$0x3] =	sbarrier.arrive $0xFFFF  }
0x8d: {  	_ =	shalt  }

// kernel: kernel.7.cloned.1.call-start
scs
__scs_entry_jumppad:
0x0: {  	(pc) =	sbr.rel $0x88, $3  }
0x1: {  	(tag) =	ssettag $0x0;
	lr =	simm.s32 $0x1  }
0x2: {  	[smem:$0x3F8F] =	sst lr;
	_ =	strace $0xD0000000  }
0x3: {  	_ = 	snop  }
0x4: {  	_ = 	snop  }
0x5: {  	_ = 	snop  }
0x6: {  	_ = 	snop  }
0x7: {  	_ = 	snop  }
__scs_overlays_trampoline_lowered:
0x8: {  	[smem:$0x3F9E] =	sst s0  }
0x9: {  	[smem:$0x3F9F] =	sst s1  }
0xa: {  	[smem:$0x3FA0] =	sst s2  }
0xb: {  	[smem:$0x3FA1] =	sst s3  }
0xc: {  	[smem:$0x3FA2] =	sst s4  }
0xd: {  	[smem:$0x3FA3] =	sst s5  }
0xe: {  	[smem:$0x3FA4] =	sst s6  }
0xf: {  	[smem:$0x3FA5] =	sst s7  }
0x10: {  	[smem:$0x3FA6] =	sst s8  }
0x11: {  	[smem:$0x3FA7] =	sst s9;
	s0 =	simm.s32 @!p0 $0x0  }
0x12: {  	s1 =	sld [smem:$0x3F8D];
	s0 =	simm.s32 @p0 $0x1  }
0x13: {  	[smem:$0x3FA8] =	sst s0;
	s0 =	simm.s32 @!p1 $0x0  }
0x14: {  	s2 =	sld [smem:$0x3F8C];
	s0 =	simm.s32 @p1 $0x1  }
0x15: {  	[smem:$0x3FA9] =	sst s0;
	s0 =	simm.s32 @!p2 $0x0  }
0x16: {  	s3 =	sld [smem:$0x3FDB];
	s0 =	simm.s32 @p2 $0x1  }
0x17: {  	s4 =	simm.s32 $0x1BF5;
	[smem:$0x3FAB] =	sst s0  }
0x18: {  	s0 =	sld [smem:$0x3F8E];
	_ =	swait.ge [sflag:s4], $0x0  }
0x19: {  	s7 =	sld [smem:$0x3F8F]  }
0x1a: {  	s8 =	sadd.s32 $0xFFFFE003, lr  }
0x1b: {  	s9 =	sadd.s32 $0xFFFFFEF7, lr;
	s5 =	simm.s32 $0xFFFFFFFF;
	p2 =	slt.u32 s8, $0xFFFFF086  }
0x1c: {  	p1 =	slt.u32 s9, $0xF7A;
	s5 =	simm.s32 @!p2 $0x0  }
0x1d: {  	s5 =	simm.s32 @p1 $0x1;
	p0 =	seq.s32 s7, s2  }
0x1e: {  	s7 =	smul.u32 @!p0 $0xF7A, s2;
	p2 =	seq.s32 @!p0 s5, $0x0  }
0x1f: {  	s9 =	smul.u32 $0xF7A, s1;
	s8 =	simm.s32 @!p0 $0x1BF5;
	p2 =	por !p2, p0  }
0x20: {  	[sflag:s8] =	ssyncset.s32 @!p0 $0xFFFFF086;
	s6 =	sadd.s32 @!p0 s3, s7;
	s7 =	simm.s32 @!p0 $0x108  }
0x21: {  	s3 =	sadd.s32 s3, s9;
	s6 =	sadd.s32 @!p0 $0x88, s6;
	s7 =	simm.s32 @p2 $0x1082  }
0x22: {  	[simem:s7], [sflag:s8] =	dma.local @!p0 [hbm:s6], $0xF7A  }
0x23: {  	s9 =	sor.u32 $0xD0000000, s2;
	s6 =	simm.s32 $0x108;
	_ =	swait.ge @!p0 [sflag:s8], $0x0  }
0x24: {  	s3 =	sadd.s32 $0x88, s3;
	s6 =	simm.s32 @!p1 $0x1082;
	[sflag:s4] =	ssyncset.s32 $0xFFFFF086  }
0x25: {  	[simem:s6], [sflag:s4] =	dma.local [hbm:s3], $0xF7A  }
0x26: {  	[smem:$0x3F8F] =	sst s1;
	(tag) =	ssettag s2;
	_ =	strace s9  }
0x27: {  	s1 =	sld [smem:$0x3F9F]  }
0x28: {  	s2 =	sld [smem:$0x3FA0]  }
0x29: {  	s4 =	sld [smem:$0x3FA2]  }
0x2a: {  	p0 =	seq.s32 s5, $0x0;
	s5 =	sld [smem:$0x3FA3]  }
0x2b: {  	s6 =	sld [smem:$0x3FA4]  }
0x2c: {  	s7 =	sld [smem:$0x3FA5]  }
0x2d: {  	s3 =	simm.s32 $0x108;
	s8 =	sld [smem:$0x3FA6]  }
0x2e: {  	s3 =	simm.s32 @!p0 $0x1082;
	s9 =	sld [smem:$0x3FA7]  }
0x2f: {  	lr =	sadd.s32 s0, s3;
	s0 =	sld [smem:$0x3F9E]  }
0x30: {  	s3 =	sld [smem:$0x3FA1]  }
0x31: {  	[smem:$0x3FAA] =	sst s10  }
0x32: {  	s10 =	sld [smem:$0x3FA8];
	_ =	sdelay $0x3  }
0x33: {  	p0 =	seq.s32 s10, $0x1;
	s10 =	sld [smem:$0x3FAA];
	_ =	sdelay $0x3  }
0x34: {  	[smem:$0x3FAA] =	sst s10  }
0x35: {  	s10 =	sld [smem:$0x3FA9];
	_ =	sdelay $0x3  }
0x36: {  	p1 =	seq.s32 s10, $0x1;
	s10 =	sld [smem:$0x3FAA];
	_ =	sdelay $0x3  }
0x37: {  	[smem:$0x3FAA] =	sst s10  }
0x38: {  	s10 =	sld [smem:$0x3FAB]  }
0x39: {  	_ = 	snop;
	(pc) =	sbr.ind lr, $3  }
0x3a: {  	_ = 	snop  }
0x3b: {  	_ = 	snop  }
0x3c: {  	p2 =	seq.s32 s10, $0x1;
	s10 =	sld [smem:$0x3FAA]  }
0x3d: {  	_ =	shalt  }
0x3e: {  	_ =	shalt  }
0x3f: {  	_ =	shalt  }
0x40: {  	_ =	shalt  }
0x41: {  	_ =	shalt  }
0x42: {  	_ =	shalt  }
0x43: {  	_ =	shalt  }
0x44: {  	_ =	shalt  }
0x45: {  	_ =	shalt  }
0x46: {  	_ =	shalt  }
0x47: {  	_ =	shalt  }
0x48: {  	_ =	shalt  }
0x49: {  	_ =	shalt  }
0x4a: {  	_ =	shalt  }
0x4b: {  	_ =	shalt  }
0x4c: {  	_ =	shalt  }
0x4d: {  	_ =	shalt  }
0x4e: {  	_ =	shalt  }
0x4f: {  	_ =	shalt  }
0x50: {  	_ =	shalt  }
0x51: {  	_ =	shalt  }
0x52: {  	_ =	shalt  }
0x53: {  	_ =	shalt  }
0x54: {  	_ =	shalt  }
0x55: {  	_ =	shalt  }
0x56: {  	_ =	shalt  }
0x57: {  	_ =	shalt  }
0x58: {  	_ =	shalt  }
0x59: {  	_ =	shalt  }
0x5a: {  	_ =	shalt  }
0x5b: {  	_ =	shalt  }
0x5c: {  	_ =	shalt  }
0x5d: {  	_ =	shalt  }
0x5e: {  	_ =	shalt  }
0x5f: {  	_ =	shalt  }
0x60: {  	_ =	shalt  }
0x61: {  	_ =	shalt  }
0x62: {  	_ =	shalt  }
0x63: {  	_ =	shalt  }
0x64: {  	_ =	shalt  }
0x65: {  	_ =	shalt  }
0x66: {  	_ =	shalt  }
0x67: {  	_ =	shalt  }
0x68: {  	_ =	shalt  }
0x69: {  	_ =	shalt  }
0x6a: {  	_ =	shalt  }
0x6b: {  	_ =	shalt  }
0x6c: {  	_ =	shalt  }
0x6d: {  	_ =	shalt  }
0x6e: {  	_ =	shalt  }
0x6f: {  	_ =	shalt  }
0x70: {  	_ =	shalt  }
0x71: {  	_ =	shalt  }
0x72: {  	_ =	shalt  }
0x73: {  	_ =	shalt  }
0x74: {  	_ =	shalt  }
0x75: {  	_ =	shalt  }
0x76: {  	_ =	shalt  }
0x77: {  	_ =	shalt  }
0x78: {  	_ =	shalt  }
0x79: {  	_ =	shalt  }
0x7a: {  	_ =	shalt  }
0x7b: {  	_ =	shalt  }
0x7c: {  	_ =	shalt  }
0x7d: {  	_ =	shalt  }
0x7e: {  	_ =	shalt  }
0x7f: {  	_ =	shalt  }
0x80: {  	_ =	shalt  }
0x81: {  	_ =	shalt  }
0x82: {  	_ =	shalt  }
0x83: {  	_ =	shalt  }
0x84: {  	_ =	shalt  }
0x85: {  	_ =	shalt  }
0x86: {  	_ =	shalt  }
0x87: {  	_ =	shalt  }
.Lfunc_end0:
.L_simem_size_0:
called_computation_lowered:
.L_overlay_start_0:
0x88: {  	s2 =	sld [smem:$0x3FD9]  }
0x89: {  	s3 =	sld [smem:$0x3FFE];
	_ =	sdelay $0x1  }
0x8a: {  	s1 =	srdreg.scid  }
0x8b: {  	s0 =	sand.u32 $0x1, s1  }
0x8c: {  	s17 =	sshll.u32 s0, $0xA;
	s2 =	sadd.s32 s3, s2  }
0x8d: {  	s2 =	sadd.s32 s2, s17  }
0x8e: {  	[smem:$0x3FB6] =	sst s2  }
0x8f: {  	_ = 	snop  }
0x90: {  	s2 =	sld [smem:$0x3FD0];
	(tm) =	ssettm $0x1  }
0x91: {  	s18 =	sld [smem:$0x3FFB];
	_ =	sdelay $0x3  }
0x92: {  	_ =	strace s18  }
0x93: {  	s3 =	sld [smem:$0x3FFC];
	_ =	sdelay $0x3  }
0x94: {  	_ =	strace s3  }
0x95: {  	s3 =	sld [smem:$0x3FFD];
	_ =	sdelay $0x3  }
0x96: {  	_ =	strace s3  }
0x97: {  	_ =	strace $0x8FFFFFFF  }
0x98: {  	s19 =	sld [smem:$0x3FDB];
	_ =	sdelay $0x1  }
0x99: {  	s4 =	simm.s32 $_scs_section_size  }
0x9a: {  	s5 =	simm.s32 $_size__tile_overlayer_lowered;
	s6 =	simm.s32 $_tile_overlayer_lowered  }
0x9b: {  	s22 =	simm.s32 $0x1BFF;
	s21 =	sshll.u32 s6, $0x1;
	s3 =	sadd.s32 s4, s19  }
0x9c: {  	s7 =	simm.s32 $0x0;
	s20 =	sshll.u32 s5, $0x1;
	s5 =	sadd.s32 s21, s3  }
0x9d: {  	[timem:s7], [sflag:s22] =	dma.local [hbm:s5], s20  }
0x9e: {  	_ =	swait.ge [sflag:s22], s20  }
0x9f: {  	s4 =	ssub.s32 $0x0, s20;
	[sflag:s22] =	ssyncset.done $0x0  }
0xa0: {  	[sflag:s22] =	ssyncadd.s32 s4;
	_ =	sdelay $0x1  }
0xa1: {  	s23 =	simm.s32 $0x1B8B  }
0xa2: {  	_ =	swait.ge [sflag:s23], $0x1  }
0xa3: {  	[sflag:s23] =	ssyncset.done $0x0  }
0xa4: {  	s25 =	simm.s32 $0x1B8E;
	s24 =	sld [smem:$0x3FFE];
	[sflag:s23] =	ssyncadd.s32 $0xFFFFFFFF  }
0xa5: {  	s26 =	simm.s32 $execute0_lowered;
	[smem:$0x3FD2] =	sst s25  }
0xa6: {  	s5 =	sshll.u32 s26, $0x1;
	_ =	strace $0x80000046;
	[dreg:$0x1] =	wrdreg $0xFFFFFFFF  }
0xa7: {  	s28 =	simm.s32 $_size_execute0_lowered;
	s3 =	sadd.s32 s3, s5;
	[dreg:$0x0] =	wrdreg $0x0  }
0xa8: {  	s5 =	sshll.u32 s28, $0x1;
	[dreg:$0x2] =	wrdreg s3  }
0xa9: {  	[dreg:$0x3] =	wrdreg s5  }
0xaa: {  	[dreg:$0x4] =	wrdreg $0xC0  }
0xab: {  	_ =	task [dreg:s7], $0x5FFFF  }
0xac: {  	[dreg:$0x1] =	wrdreg $0xFFFFFFFF  }
0xad: {  	[dreg:$0x0] =	wrdreg $0x60  }
0xae: {  	[dreg:$0x2] =	wrdreg s24  }
0xaf: {  	[dreg:$0x3] =	wrdreg s2  }
0xb0: {  	[dreg:$0x4] =	wrdreg $0x108000  }
0xb1: {  	[dreg:$0x5] =	wrdreg $0x9  }
0xb2: {  	_ =	task.clear_ibuf [dreg:s7], $0x6FFFF;
	_ =	strace $0x90000046  }
0xb3: {  	s29 =	simm.s32 $0x9;
	_ =	strace $0x80000048  }
0xb4: {  	_ =	swait.ge [sflag:s29], $0x1  }
0xb5: {  	[sflag:s29] =	ssyncadd.s32 $0xFFFFFFFF  }
0xb6: {  	_ =	strace $0x90000048  }
0xb7: {  	_ =	sfence  }
0xb8: {  	s30 =	sld [smem:$0x0];
	_ =	sdelay $0x2  }
0xb9: {  	s31 =	sshll.u32 s1, $0xD;
	s1 =	sshrl.u32 s1, $0x2  }
0xba: {  	s3 =	sand.u32 $0x4000, s31;
	s1 =	sadd.s32 s1, s30  }
0xbb: {  	s0 =	sor.u32 s3, s0;
	s1 =	sshll.u32 s1, $0x11  }
0xbc: {  	s0 =	sor.u32 s1, s0  }
0xbd: {  	s0 =	sadd.s32 $0x8F2B, s0  }
0xbe: {  	[sflag:s0] =	ssyncadd.remote.s32 $0x1  }
0xbf: {  	_ =	sfence.sel $0xFFFF  }
0xc0: {  	[dreg:$0x0] =	wrdreg $0xFFFFFFFF;
	(pc) =	sbr.abs _section_cstart, $3  }
0xc1: {  	[dreg:$0x1] =	wrdreg $0xFFFFFFFF  }
0xc2: {  	_ =	task.clear_ibuf [dreg:s7], $0x2FFFF;
	_ =	strace $0x9FFFFFFF  }
0xc3: {  	(tm) =	ssettm $0x7FFFFFFF  }
tec
execute0_lowered:
.L_overlay_start_1:
0x0: {  	(tag) =	ssettag $0x1  }
0x1: {  	s6 =	rddreg [dreg:$0x0]  }
0x2: {  	s2 =	rddreg [dreg:$0x1];
	s1 =	srdreg.scid  }
0x3: {  	s0 =	stileid.u32;
	s3 =	rddreg [dreg:$0x2];
	s4 =	simm.s32 $0x0  }
0x4: {  	s13 =	simm.s32 $0x400;
	s14 =	simm.s32 $0x200;
	s15 =	simm.s32 $0x800  }
0x5: {  	s16 =	simm.s32 $0x600;
	s17 =	simm.s32 $0x8800;
	s5 =	smul.u32 $0x5000, s0  }
0x6: {  	s18 =	simm.s32 $0x1;
	s19 =	simm.s32 $0x2;
	s9 =	smul.u32 $0x13C0, s0  }
0x7: {  	s7 =	sand.u32 $0x1, s1;
	s1 =	rddreg [dreg:$0x3];
	s11 =	smul.u32 $0x27800, s0  }
0x8: {  	s20 =	simm.s32 $0x0;
	[smem:$0x7FF] =	sst s4;
	s8 =	smul.u32 $0x2800, s7  }
0x9: {  	s31 =	sshll.u32 s0, $0x6;
	s10 =	smul.u32 $0x13C00, s7;
	s7 =	ssub.s32 $0x2, s7  }
0xa: {  	_ =	strace $0x80000047;
	s28 =	sshrl.u32 s7, $0x1;
	s29 =	sshrl.u32 s11, $0x2  }
0xb: {  	s8 =	sadd.s32 s8, s5;
	s5 =	sadd.s32 $0x3400, s6;
	s26 =	sadd.s32 s9, s10  }
0xc: {  	s30 =	ssub.s32 s7, s28;
	s11 =	sadd.s32 s29, s3;
	s8 =	sshrl.u32 s8, $0x3  }
0xd: {  	s11 =	sshrl.u32 s11, $0x3;
	s12 =	sadd.s32 s8, s6;
	s8 =	sadd.s32 s26, s6  }
0xe: {  	s6 =	sor.u32 $0x1C03, s31;
	s7 =	sadd.s32 $0x2AE00, s8;
	s8 =	smax.u32 s30, $0x1  }
0xf: {  	s9 =	sadd.s32 $0x16E00, s12;
	s10 =	sadd.s32 $0x20E00, s12;
	s12 =	simm.s32 $0x3  }
.LBB2_1:
0x10: {  	[spmem:s11], [sflag:s6] =	dma.local [hbm:s2], $0x13C0  }
0x11: {  	_ =	swait.ge [sflag:s12], $0x13C0  }
0x12: {  	[sflag:s12] =	ssyncset.done $0x0  }
0x13: {  	[sflag:s12] =	ssyncadd.s32 $0xFFFFEC40  }
0x14: {  	s21 =	sadd.s32 $0x0, s9;
	[bflag:$0x0] =	sbarrier.arrive $0xFFFF  }
0x15: {  	[tilespmem:s4], [sflag:$0x3] =	stream.linear.gather [hbm4b:s21+s4], $0x200, $0x38;
	[tilespmem:$0x1A600] =	vst v63  }
0x16: {  	_ =	swait.ge [sflag:s12], $0x200  }
0x17: {  	[sflag:s12] =	ssyncset.done $0x0  }
0x18: {  	s22 =	sadd.s32 $0x0, s10;
	[sflag:s12] =	ssyncadd.s32 $0xFFFFFE00  }
0x19: {  	[tilespmem:s13], [sflag:$0x3] =	stream.linear.gather [hbm4b:s22+s4], $0x200, $0x38;
	[tilespmem:$0x1A600] =	vst v63  }
0x1a: {  	_ =	swait.ge [sflag:s12], $0x200  }
0x1b: {  	[sflag:s12] =	ssyncset.done $0x0  }
0x1c: {  	[sflag:s12] =	ssyncadd.s32 $0xFFFFFE00  }
0x1d: {  	[tilespmem:s15], [sflag:$0x1] =	stream.indirect.gather [hbm4b:s5+s14], $0x40, s4, s14, $0xb8;
	[tilespmem:$0x1A600] =	vst v63  }
0x1e: {  	s21 =	sadd.s32 $0x40, s21  }
0x1f: {  	[tilespmem:s14], [sflag:$0x3] =	stream.linear.gather [hbm4b:s21+s4], $0x200, $0x38;
	[tilespmem:$0x1A600] =	vst v63  }
0x20: {  	_ =	swait.ge [sflag:s12], $0x200  }
0x21: {  	[sflag:s12] =	ssyncset.done $0x0  }
0x22: {  	s31 =	sadd.s32 $0x40, s22;
	[sflag:s12] =	ssyncadd.s32 $0xFFFFFE00  }
0x23: {  	[tilespmem:s16], [sflag:$0x3] =	stream.linear.gather [hbm4b:s31+s4], $0x200, $0x38;
	[tilespmem:$0x1A600] =	vst v63  }
0x24: {  	_ =	swait.ge [sflag:s12], $0x200  }
0x25: {  	[sflag:s12] =	ssyncset.done $0x0  }
0x26: {  	[sflag:s12] =	ssyncadd.s32 $0xFFFFFE00  }
0x27: {  	[tilespmem:s17], [sflag:$0x2] =	stream.indirect.gather [hbm4b:s5+s14], $0x40, s14, s14, $0xb8;
	[tilespmem:$0x1A600] =	vst v63  }
0x28: {  	_ =	swait.ge [sflag:s18], $0x8000  }
0x29: {  	[sflag:s18] =	ssyncset.done $0x0  }
0x2a: {  	[sflag:s18] =	ssyncadd.s32 $0xFFFF8000  }
0x2b: {  	[spmem:s3] =	stream.indirect.scatter.add.f32 [tilespmem:s15], [sflag:$0x3], $0x40, s13, s14, $0xb8;
	[tilespmem:$0x1A600] =	vst v63  }
0x2c: {  	_ =	swait.ge [sflag:s12], $0x8000  }
0x2d: {  	[sflag:s12] =	ssyncset.done $0x0  }
0x2e: {  	[sflag:s12] =	ssyncadd.s32 $0xFFFF8000  }
0x2f: {  	_ =	swait.ge [sflag:s19], $0x8000  }
0x30: {  	[sflag:s19] =	ssyncset.done $0x0  }
0x31: {  	[sflag:s19] =	ssyncadd.s32 $0xFFFF8000  }
0x32: {  	[spmem:s3] =	stream.indirect.scatter.add.f32 [tilespmem:s17], [sflag:$0x3], $0x40, s16, s14, $0xb8;
	[tilespmem:$0x1A600] =	vst v63  }
0x33: {  	_ =	swait.ge [sflag:s12], $0x8000  }
0x34: {  	s23 =	simm.s32 $0x100;
	s21 =	simm.s32 $0x80;
	[sflag:s12] =	ssyncset.done $0x0  }
.LBB2_2:
0x35: {  	s24 =	sadd.s32 s21, s9  }
0x36: {  	[sflag:s12] =	ssyncadd.s32 $0xFFFF8000;
	s25 =	smov.u32 s23;
	s22 =	sadd.s32 $0x80, s23  }
0x37: {  	[tilespmem:s4], [sflag:$0x3] =	stream.linear.gather [hbm4b:s24+s4], $0x200, $0x38;
	[tilespmem:$0x1A600] =	vst v63  }
0x38: {  	p0 =	sne.s32 s23, $0x480;
	_ =	swait.ge [sflag:s12], $0x200  }
0x39: {  	[sflag:s12] =	ssyncset.done $0x0  }
0x3a: {  	s23 =	sadd.s32 s21, s10;
	s21 =	smov.u32 s25;
	[sflag:s12] =	ssyncadd.s32 $0xFFFFFE00  }
0x3b: {  	[tilespmem:s13], [sflag:$0x3] =	stream.linear.gather [hbm4b:s23+s4], $0x200, $0x38;
	[tilespmem:$0x1A600] =	vst v63  }
0x3c: {  	_ =	swait.ge [sflag:s12], $0x200  }
0x3d: {  	[sflag:s12] =	ssyncset.done $0x0  }
0x3e: {  	[sflag:s12] =	ssyncadd.s32 $0xFFFFFE00  }
0x3f: {  	[tilespmem:s15], [sflag:$0x1] =	stream.indirect.gather [hbm4b:s5+s14], $0x40, s4, s14, $0xb8;
	[tilespmem:$0x1A600] =	vst v63  }
0x40: {  	s24 =	sadd.s32 $0x40, s24  }
0x41: {  	[tilespmem:s14], [sflag:$0x3] =	stream.linear.gather [hbm4b:s24+s4], $0x200, $0x38;
	[tilespmem:$0x1A600] =	vst v63  }
0x42: {  	_ =	swait.ge [sflag:s12], $0x200  }
0x43: {  	[sflag:s12] =	ssyncset.done $0x0  }
0x44: {  	s23 =	sadd.s32 $0x40, s23;
	[sflag:s12] =	ssyncadd.s32 $0xFFFFFE00  }
0x45: {  	[tilespmem:s16], [sflag:$0x3] =	stream.linear.gather [hbm4b:s23+s4], $0x200, $0x38;
	[tilespmem:$0x1A600] =	vst v63  }
0x46: {  	_ =	swait.ge [sflag:s12], $0x200  }
0x47: {  	[sflag:s12] =	ssyncset.done $0x0  }
0x48: {  	[sflag:s12] =	ssyncadd.s32 $0xFFFFFE00  }
0x49: {  	[tilespmem:s17], [sflag:$0x2] =	stream.indirect.gather [hbm4b:s5+s14], $0x40, s14, s14, $0xb8;
	[tilespmem:$0x1A600] =	vst v63  }
0x4a: {  	_ =	swait.ge [sflag:s18], $0x8000  }
0x4b: {  	[sflag:s18] =	ssyncset.done $0x0  }
0x4c: {  	[sflag:s18] =	ssyncadd.s32 $0xFFFF8000  }
0x4d: {  	[spmem:s3] =	stream.indirect.scatter.add.f32 [tilespmem:s15], [sflag:$0x3], $0x40, s13, s14, $0xb8;
	[tilespmem:$0x1A600] =	vst v63  }
0x4e: {  	_ =	swait.ge [sflag:s12], $0x8000  }
0x4f: {  	[sflag:s12] =	ssyncset.done $0x0  }
0x50: {  	[sflag:s12] =	ssyncadd.s32 $0xFFFF8000  }
0x51: {  	_ =	swait.ge [sflag:s19], $0x8000  }
.Ltmp0:
0x52: {  	[sflag:s19] =	ssyncset.done $0x0;
	(pc) =	sbr.rel @p0 .LBB2_2-.Ltmp0, $4  }
0x53: {  	[sflag:s19] =	ssyncadd.s32 $0xFFFF8000  }
0x54: {  	[spmem:s3] =	stream.indirect.scatter.add.f32 [tilespmem:s17], [sflag:$0x3], $0x40, s16, s14, $0xb8;
	[tilespmem:$0x1A600] =	vst v63  }
0x55: {  	_ =	swait.ge [sflag:s12], $0x8000  }
0x56: {  	s23 =	smov.u32 s22;
	[sflag:s12] =	ssyncset.done $0x0  }
0x57: {  	s22 =	sadd.s32 s21, s9;
	[sflag:s12] =	ssyncadd.s32 $0xFFFF8000  }
0x58: {  	[tilespmem:s4], [sflag:$0x3] =	stream.linear.gather [hbm4b:s22+s4], $0x200, $0x38;
	[tilespmem:$0x1A600] =	vst v63  }
0x59: {  	_ =	swait.ge [sflag:s12], $0x200  }
0x5a: {  	[sflag:s12] =	ssyncset.done $0x0  }
0x5b: {  	s31 =	sadd.s32 s21, s10;
	[sflag:s12] =	ssyncadd.s32 $0xFFFFFE00  }
0x5c: {  	[tilespmem:s13], [sflag:$0x3] =	stream.linear.gather [hbm4b:s31+s4], $0x200, $0x38;
	[tilespmem:$0x1A600] =	vst v63  }
0x5d: {  	_ =	swait.ge [sflag:s12], $0x200  }
0x5e: {  	[sflag:s12] =	ssyncset.done $0x0  }
0x5f: {  	[sflag:s12] =	ssyncadd.s32 $0xFFFFFE00  }
0x60: {  	[tilespmem:s15], [sflag:$0x1] =	stream.indirect.gather [hbm4b:s5+s14], $0x40, s4, s14, $0xb8;
	[tilespmem:$0x1A600] =	vst v63  }
0x61: {  	s22 =	sadd.s32 $0x40, s22  }
0x62: {  	[tilespmem:s14], [sflag:$0x3] =	stream.linear.gather [hbm4b:s22+s4], $0x200, $0x38;
	[tilespmem:$0x1A600] =	vst v63  }
0x63: {  	_ =	swait.ge [sflag:s12], $0x200  }
0x64: {  	[sflag:s12] =	ssyncset.done $0x0  }
0x65: {  	s21 =	sadd.s32 $0x40, s31;
	[sflag:s12] =	ssyncadd.s32 $0xFFFFFE00  }
0x66: {  	[tilespmem:s16], [sflag:$0x3] =	stream.linear.gather [hbm4b:s21+s4], $0x200, $0x38;
	[tilespmem:$0x1A600] =	vst v63  }
0x67: {  	_ =	swait.ge [sflag:s12], $0x200  }
0x68: {  	[sflag:s12] =	ssyncset.done $0x0  }
0x69: {  	[sflag:s12] =	ssyncadd.s32 $0xFFFFFE00  }
0x6a: {  	[tilespmem:s17], [sflag:$0x2] =	stream.indirect.gather [hbm4b:s5+s14], $0x40, s14, s14, $0xb8;
	[tilespmem:$0x1A600] =	vst v63  }
0x6b: {  	_ =	swait.ge [sflag:s18], $0x8000  }
0x6c: {  	[sflag:s18] =	ssyncset.done $0x0  }
0x6d: {  	[sflag:s18] =	ssyncadd.s32 $0xFFFF8000  }
0x6e: {  	[spmem:s3] =	stream.indirect.scatter.add.f32 [tilespmem:s15], [sflag:$0x3], $0x40, s13, s14, $0xb8;
	[tilespmem:$0x1A600] =	vst v63  }
0x6f: {  	_ =	swait.ge [sflag:s12], $0x8000  }
0x70: {  	[sflag:s12] =	ssyncset.done $0x0  }
0x71: {  	[sflag:s12] =	ssyncadd.s32 $0xFFFF8000  }
0x72: {  	_ =	swait.ge [sflag:s19], $0x8000  }
0x73: {  	[sflag:s19] =	ssyncset.done $0x0  }
0x74: {  	[sflag:s19] =	ssyncadd.s32 $0xFFFF8000  }
0x75: {  	[spmem:s3] =	stream.indirect.scatter.add.f32 [tilespmem:s17], [sflag:$0x3], $0x40, s16, s14, $0xb8;
	[tilespmem:$0x1A600] =	vst v63  }
0x76: {  	_ =	swait.ge [sflag:s12], $0x8000  }
0x77: {  	s20 =	sadd.s32 $0x1, s20;
	[sflag:s12] =	ssyncset.done $0x0  }
0x78: {  	p0 =	sne.s32 s20, s8;
	[sflag:s12] =	ssyncadd.s32 $0xFFFF8000  }
.Ltmp1:
0x79: {  	[bflag:$0x0] =	sbarrier.arrive $0xFFFF;
	(pc) =	sbr.rel @p0 .LBB2_1-.Ltmp1, $4  }
0x7a: {  	[hbm:s7], [sflag:s6] =	dma.local [spmem:s11], $0x13C0  }
0x7b: {  	_ =	swait.ge [sflag:s12], $0x13C0  }
0x7c: {  	[sflag:s12] =	ssyncset.done $0x0  }
0x7d: {  	[sflag:s12] =	ssyncadd.s32 $0xFFFFEC40  }
0x7e: {  	_ =	sfence.sel $0x180000  }
0x7f: {  	[bflag:$0x0] =	sbarrier.arrive $0xFFFF  }
0x80: {  	p0 =	sne.s32 s0, $0x0;
	_ =	strace $0x90000047  }
0x81: {  	s0 =	sadd.s32 @!p0 $0x100000, s1;
	[bflag:$0x2] =	sbarrier.arrive $0xFFFF  }
0x82: {  	[sflag:s0] =	ssyncadd.tile.s32 @!p0 $0x1;
	_ =	shalt  }
.Lfunc_end2:
_tile_overlayer_lowered:
.L_overlay_start_2:
0x83: {  	(tag) =	ssettag $0x2  }
0x84: {  	s0 =	rddreg [dreg:$0x0];
	s2 =	stileid.u32  }
0x85: {  	s1 =	rddreg [dreg:$0x1];
	p0 =	sne.s32 s2, $0x0  }
0x86: {  	s3 =	rddreg [dreg:$0x2];
	[bflag:$0x3] =	sbarrier.arrive $0xFFFF;
	s2 =	simm.s32 @!p0 $0x1C03  }
0x87: {  	[timem:s3], [sflag:s2] =	dma.local @!p0 [hbm:s0], s1  }
0x88: {  	s0 =	simm.s32 @!p0 $0x3  }
0x89: {  	_ =	swait.ge @!p0 [sflag:s0], s1  }
0x8a: {  	s1 =	ssub.s32 @!p0 $0x0, s1;
	[sflag:s0] =	ssyncset.done @!p0 $0x0  }
0x8b: {  	[sflag:s0] =	ssyncadd.s32 @!p0 s1  }
0x8c: {  	[bflag:$0x3] =	sbarrier.arrive $0xFFFF  }
0x8d: {  	_ =	shalt  }

</sc_bundles>
